<compile_context>
chip_gen: v7x
topology: tpu7x:2x2x1
jax: 0.10.2.dev20260603
libtpu: 0.0.44.dev20260713+nightly
codegen_flags: <defaults>
</compile_context>

<pallas_src>
import functools

import jax
import jax.numpy as jnp
from jax import lax
from jax.experimental import pallas as pl
from jax.experimental.pallas import tpu as pltpu
from jax.experimental.pallas import tpu_sc as plsc

B, L = 4096, 200
D = 384
N_TOK = B * L
N_PIECE = 6 * N_TOK
NC, NS = 2, 16
NW = NC * NS
P_PER_W = N_PIECE // NW
JP = 480
N_CH = P_PER_W // JP
N_PAIR = N_CH // 2


def _sc_piece_gather(pidx, tp):
    mesh = plsc.VectorSubcoreMesh(core_axis_name="c", subcore_axis_name="s")

    @functools.partial(
        pl.kernel,
        out_type=jax.ShapeDtypeStruct((N_PIECE, 128), jnp.float32),
        mesh=mesh,
        scratch_types=(
            [pltpu.VMEM((2 * JP,), jnp.int32) for _ in range(4)]
            + [pltpu.VMEM((JP, 128), jnp.float32) for _ in range(2)]
            + [pltpu.SemaphoreType.DMA for _ in range(8)]
        ),
    )
    def k(pidx_hbm, tp_hbm, out_hbm, ib0, ib1, ib2, ib3, rows0, rows1,
          si0, si1, si2, si3, sg0, sg1, sw0, sw1):
        ib = (ib0, ib1, ib2, ib3)
        sem_i = (si0, si1, si2, si3)
        rows = (rows0, rows1)
        sem_g = (sg0, sg1)
        sem_w = (sw0, sw1)
        wid = lax.axis_index("s") * NC + lax.axis_index("c")
        base = wid * P_PER_W

        def start_iload(pair, v):
            pltpu.async_copy(
                pidx_hbm.at[pl.ds(base + pair * 2 * JP, 2 * JP)],
                ib[v], sem_i[v])

        def wait_iload(v):
            pltpu.make_async_copy(pidx_hbm.at[pl.ds(0, 2 * JP)], ib[v],
                                  sem_i[v]).wait()

        def start_gather(c, p, v, pos):
            pltpu.async_copy(
                tp_hbm.at[ib[v].at[pl.ds(pos * JP, JP)]], rows[p], sem_g[p])

        def wait_gather(p):
            pltpu.make_async_copy(out_hbm.at[pl.ds(0, JP)], rows[p],
                                  sem_g[p]).wait()

        def start_write(c, p):
            pltpu.async_copy(rows[p], out_hbm.at[pl.ds(base + c * JP, JP)],
                             sem_w[p])

        def wait_write(p):
            pltpu.make_async_copy(rows[p], out_hbm.at[pl.ds(0, JP)],
                                  sem_w[p]).wait()

        pltpu.sync_copy(pidx_hbm.at[pl.ds(base, 2 * JP)], ib0)
        start_iload(1, 1)
        start_gather(0, 0, 0, 0)

        def body(qi, carry):
            for u in range(4):
                i = 4 * qi + u
                c0 = 2 * i

                @pl.when(i < N_PAIR - 2)
                def _():
                    start_iload(i + 2, (u + 2) % 4)

                wait_gather(0)
                start_write(c0, 0)

                @pl.when(i > 0)
                def _():
                    wait_write(1)
                start_gather(c0 + 1, 1, u, 1)

                wait_gather(1)
                start_write(c0 + 1, 1)

                @pl.when(i < N_PAIR - 1)
                def _():
                    wait_write(0)
                    wait_iload((u + 1) % 4)
                    start_gather(c0 + 2, 0, (u + 1) % 4, 0)
            return carry

        lax.fori_loop(0, N_PAIR // 4, body, 0)
        wait_write(0)
        wait_write(1)

    return k(pidx, tp)


def kernel(left_idx, up_idx, table):
    n_pad = -table.shape[0] % 8
    tp = (jnp.pad(table, ((0, n_pad), (0, 0)))
          .reshape(-1, 8, 3, 128).transpose(0, 2, 1, 3).reshape(-1, 128))
    li = left_idx.reshape(B, 25, 8)
    ui = up_idx.reshape(B, 25, 8)

    def piece_base(r):
        return 24 * (r >> 3) + (r & 7)

    cb = jnp.arange(6, dtype=jnp.int32).reshape(1, 1, 6, 1)
    pidx = (jnp.where(cb < 3, piece_base(li)[:, :, None, :],
                      piece_base(ui)[:, :, None, :])
            + 8 * (cb % 3)).astype(jnp.int32).reshape(-1)

    out = _sc_piece_gather(pidx, tp)
    return (out.reshape(B, 25, 6, 8, 128)
               .transpose(0, 1, 3, 2, 4)
               .reshape(B, L, 6 * 128))

# --- scband reference (transcript-rebuilt; emitter-appended) ---
"""Pipeline reference for scband-meta-learner-3994319585525 (READ-ONLY COPY).

The authoritative reference and input builder live on the scoring server;
editing this copy changes nothing except your own understanding.
"""

import jax, jax.numpy as jnp
import numpy as np

VOCAB = 16384
GPT_DIM = 768
EMB_DIM = GPT_DIM // 2
NUM_EMB = VOCAB + 3
B, L = 4096, 200

def setup_inputs(seed: int = 0) -> dict:
    key = jax.random.key(seed)
    k1, k2, k3 = jax.random.split(key, 3)
    table = jax.random.normal(k1, (NUM_EMB, EMB_DIM), dtype=jnp.float32)
    left_idx = jax.random.randint(k2, (B, L), 0, NUM_EMB, dtype=jnp.int64) if jax.config.jax_enable_x64 else jax.random.randint(k2, (B, L), 0, NUM_EMB, dtype=jnp.int32)
    up_idx = jax.random.randint(k3, (B, L), 0, NUM_EMB, dtype=jnp.int32)
    left_idx = left_idx.astype(jnp.int32)
    return {"left_idx": left_idx, "up_idx": up_idx, "table": table}

def reference(left_idx, up_idx, table):
    left_emb = jnp.take(table, left_idx, axis=0)
    up_emb = jnp.take(table, up_idx, axis=0)
    embeddings = jnp.concatenate((left_emb, up_emb), axis=-1)
    return embeddings

if __name__ == "__main__":
    import jax
    _d = setup_inputs()
    print(jax.jit(kernel)(*tuple(_d.values())))

</pallas_src>

<mosaic_0001>
#map = affine_map<(d0, d1) -> (0)>
#map1 = affine_map<(d0, d1) -> (0, 0)>
module attributes {stable_mosaic.version = 14 : i64} {
  func.func @k(%arg0: i32, %arg1: i32, %arg2: memref<4915200xi32, #tpu.memory_space<hbm>>, %arg3: memref<49176x128xf32, #tpu.memory_space<hbm>>, %arg4: memref<4915200x128xf32, #tpu.memory_space<hbm>>, %arg5: memref<960xi32, #tpu.memory_space<vmem>>, %arg6: memref<960xi32, #tpu.memory_space<vmem>>, %arg7: memref<960xi32, #tpu.memory_space<vmem>>, %arg8: memref<960xi32, #tpu.memory_space<vmem>>, %arg9: memref<480x128xf32, #tpu.memory_space<vmem>>, %arg10: memref<480x128xf32, #tpu.memory_space<vmem>>, %arg11: memref<!tpu.dma_semaphore, #tpu.memory_space<semaphore_mem>>, %arg12: memref<!tpu.dma_semaphore, #tpu.memory_space<semaphore_mem>>, %arg13: memref<!tpu.dma_semaphore, #tpu.memory_space<semaphore_mem>>, %arg14: memref<!tpu.dma_semaphore, #tpu.memory_space<semaphore_mem>>, %arg15: memref<!tpu.dma_semaphore, #tpu.memory_space<semaphore_mem>>, %arg16: memref<!tpu.dma_semaphore, #tpu.memory_space<semaphore_mem>>, %arg17: memref<!tpu.dma_semaphore, #tpu.memory_space<semaphore_mem>>, %arg18: memref<!tpu.dma_semaphore, #tpu.memory_space<semaphore_mem>>) attributes {dimension_semantics = [#tpu.dimension_semantics<core_parallel>, #tpu.dimension_semantics<subcore_parallel>], iteration_bounds = array<i64: 2, 16>, scalar_prefetch = 0 : i64, scratch_operands = 14 : i64, tpu.core_type = #tpu.core_type<sc_vector_subcore>, window_params = [{transform_indices = #map}, {transform_indices = #map1}, {transform_indices = #map1}]} {
    %mul3A = arith.constant 2 : i32
    %mul3A_0 = arith.muli %arg1, %mul3A : i32
    %add3A = arith.addi %mul3A_0, %arg0 : i32
    %mul3A_1 = arith.constant 153600 : i32
    %mul3A_2 = arith.muli %add3A, %mul3A_1 : i32
    "tpu.region"() ({
      %run_scoped3A = tpu.sem_alloc : memref<!tpu.dma_semaphore, #tpu.memory_space<semaphore_mem>>
      %dma_start3A_27 = tpu.memref_slice %arg2[%mul3A_2] : memref<4915200xi32, #tpu.memory_space<hbm>> -> memref<960xi32, #tpu.memory_space<hbm>>
      %dma_start3A_28 = tpu.memref_slice %arg2[%mul3A_2] : memref<4915200xi32, #tpu.memory_space<hbm>> -> memref<960xi32, #tpu.memory_space<hbm>>
      tpu.enqueue_dma source(%dma_start3A_28 : memref<960xi32, #tpu.memory_space<hbm>>) target(%arg5 : memref<960xi32, #tpu.memory_space<vmem>>) target_semaphore(%run_scoped3A : memref<!tpu.dma_semaphore, #tpu.memory_space<semaphore_mem>>)
      %dma_wait3A_29 = tpu.memref_slice %arg2[%mul3A_2] : memref<4915200xi32, #tpu.memory_space<hbm>> -> memref<960xi32, #tpu.memory_space<hbm>>
      %dma_wait3A_30 = tpu.memref_slice %arg2[%mul3A_2] : memref<4915200xi32, #tpu.memory_space<hbm>> -> memref<960xi32, #tpu.memory_space<hbm>>
      tpu.wait_dma2 semaphore(%run_scoped3A : memref<!tpu.dma_semaphore, #tpu.memory_space<semaphore_mem>>) src(%dma_wait3A_30 : memref<960xi32, #tpu.memory_space<hbm>>) dst(%arg5 : memref<960xi32, #tpu.memory_space<vmem>>)
      tpu.yield
    }) : () -> ()
    %add3A_3 = arith.constant 960 : i32
    %add3A_4 = arith.addi %mul3A_2, %add3A_3 : i32
    %dma_start3A = tpu.memref_slice %arg2[%add3A_4] : memref<4915200xi32, #tpu.memory_space<hbm>> -> memref<960xi32, #tpu.memory_space<hbm>>
    %dma_start3A_5 = tpu.memref_slice %arg2[%add3A_4] : memref<4915200xi32, #tpu.memory_space<hbm>> -> memref<960xi32, #tpu.memory_space<hbm>>
    tpu.enqueue_dma source(%dma_start3A_5 : memref<960xi32, #tpu.memory_space<hbm>>) target(%arg6 : memref<960xi32, #tpu.memory_space<vmem>>) target_semaphore(%arg12 : memref<!tpu.dma_semaphore, #tpu.memory_space<semaphore_mem>>)
    %dma_start3A_6 = arith.constant 0 : i32
    %dma_start3A_7 = tpu.memref_slice %arg5[%dma_start3A_6] : memref<960xi32, #tpu.memory_space<vmem>> -> memref<480xi32, #tpu.memory_space<vmem>>
    %dma_start3A_8 = arith.constant 0 : i32
    %dma_start3A_9 = arith.constant 0 : i32
    %dma_start3A_10 = tpu.memref_slice %arg3[%dma_start3A_8, %dma_start3A_9] : memref<49176x128xf32, #tpu.memory_space<hbm>> -> memref<49176x128xf32, #tpu.memory_space<hbm>>
    tpu.enqueue_indirect_dma source(%dma_start3A_10 : memref<49176x128xf32, #tpu.memory_space<hbm>>) target(%arg9 : memref<480x128xf32, #tpu.memory_space<vmem>>) offsets(%dma_start3A_7 : memref<480xi32, #tpu.memory_space<vmem>>) semaphore(%arg15 : memref<!tpu.dma_semaphore, #tpu.memory_space<semaphore_mem>>)
    %scan3A = arith.constant 0 : i32
    %scan3A_11 = arith.constant 0 : i32
    %scan3A_12 = arith.constant 40 : i32
    %scan3A_13 = arith.addi %scan3A_11, %scan3A_12 : i32
    %scan3A_14 = arith.constant 1 : i32
    scf.for %scan3A_27 = %scan3A_11 to %scan3A_13 step %scan3A_14  : i32 {
      %mul3A_28 = arith.constant 4 : i32
      %mul3A_29 = arith.muli %mul3A_28, %scan3A_27 : i32
      %add3A_30 = arith.constant 0 : i32
      %add3A_31 = arith.addi %mul3A_29, %add3A_30 : i32
      %mul3A_32 = arith.constant 2 : i32
      %mul3A_33 = arith.muli %mul3A_32, %add3A_31 : i32
      %lt3A = arith.constant 158 : i32
      %lt3A_34 = arith.cmpi slt, %add3A_31, %lt3A : i32
      %convert_element_type3A = arith.extui %lt3A_34 : i1 to i32
      %cond3A = arith.constant 0 : i32
      %cond3A_35 = arith.cmpi ne, %convert_element_type3A, %cond3A : i32
      scf.if %cond3A_35 {
        %add3A_248 = arith.constant 2 : i32
        %add3A_249 = arith.addi %add3A_31, %add3A_248 : i32
        %mul3A_250 = arith.constant 2 : i32
        %mul3A_251 = arith.muli %add3A_249, %mul3A_250 : i32
        %mul3A_252 = arith.constant 480 : i32
        %mul3A_253 = arith.muli %mul3A_251, %mul3A_252 : i32
        %add3A_254 = arith.addi %mul3A_2, %mul3A_253 : i32
        %dma_start3A_255 = tpu.memref_slice %arg2[%add3A_254] : memref<4915200xi32, #tpu.memory_space<hbm>> -> memref<960xi32, #tpu.memory_space<hbm>>
        %dma_start3A_256 = tpu.memref_slice %arg2[%add3A_254] : memref<4915200xi32, #tpu.memory_space<hbm>> -> memref<960xi32, #tpu.memory_space<hbm>>
        tpu.enqueue_dma source(%dma_start3A_256 : memref<960xi32, #tpu.memory_space<hbm>>) target(%arg7 : memref<960xi32, #tpu.memory_space<vmem>>) target_semaphore(%arg13 : memref<!tpu.dma_semaphore, #tpu.memory_space<semaphore_mem>>)
      } else {
      }
      %dma_wait3A_36 = arith.constant 0 : i32
      %dma_wait3A_37 = arith.constant 0 : i32
      %dma_wait3A_38 = tpu.memref_slice %arg4[%dma_wait3A_36, %dma_wait3A_37] : memref<4915200x128xf32, #tpu.memory_space<hbm>> -> memref<480x128xf32, #tpu.memory_space<hbm>>
      %dma_wait3A_39 = arith.constant 0 : i32
      %dma_wait3A_40 = arith.constant 0 : i32
      %dma_wait3A_41 = tpu.memref_slice %arg4[%dma_wait3A_39, %dma_wait3A_40] : memref<4915200x128xf32, #tpu.memory_space<hbm>> -> memref<480x128xf32, #tpu.memory_space<hbm>>
      tpu.wait_dma2 semaphore(%arg15 : memref<!tpu.dma_semaphore, #tpu.memory_space<semaphore_mem>>) src(%dma_wait3A_41 : memref<480x128xf32, #tpu.memory_space<hbm>>) dst(%arg9 : memref<480x128xf32, #tpu.memory_space<vmem>>)
      %mul3A_42 = arith.constant 480 : i32
      %mul3A_43 = arith.muli %mul3A_33, %mul3A_42 : i32
      %add3A_44 = arith.addi %mul3A_2, %mul3A_43 : i32
      %dma_start3A_45 = arith.constant 0 : i32
      %dma_start3A_46 = tpu.memref_slice %arg4[%add3A_44, %dma_start3A_45] : memref<4915200x128xf32, #tpu.memory_space<hbm>> -> memref<480x128xf32, #tpu.memory_space<hbm>>
      %dma_start3A_47 = arith.constant 0 : i32
      %dma_start3A_48 = tpu.memref_slice %arg4[%add3A_44, %dma_start3A_47] : memref<4915200x128xf32, #tpu.memory_space<hbm>> -> memref<480x128xf32, #tpu.memory_space<hbm>>
      tpu.enqueue_dma source(%arg9 : memref<480x128xf32, #tpu.memory_space<vmem>>) target(%dma_start3A_48 : memref<480x128xf32, #tpu.memory_space<hbm>>) target_semaphore(%arg17 : memref<!tpu.dma_semaphore, #tpu.memory_space<semaphore_mem>>)
      %gt3A = arith.constant 0 : i32
      %gt3A_49 = arith.cmpi sgt, %add3A_31, %gt3A : i32
      %convert_element_type3A_50 = arith.extui %gt3A_49 : i1 to i32
      %cond3A_51 = arith.constant 0 : i32
      %cond3A_52 = arith.cmpi ne, %convert_element_type3A_50, %cond3A_51 : i32
      scf.if %cond3A_52 {
        %dma_wait3A_248 = arith.constant 0 : i32
        %dma_wait3A_249 = arith.constant 0 : i32
        %dma_wait3A_250 = tpu.memref_slice %arg4[%dma_wait3A_248, %dma_wait3A_249] : memref<4915200x128xf32, #tpu.memory_space<hbm>> -> memref<480x128xf32, #tpu.memory_space<hbm>>
        %dma_wait3A_251 = arith.constant 0 : i32
        %dma_wait3A_252 = arith.constant 0 : i32
        %dma_wait3A_253 = tpu.memref_slice %arg4[%dma_wait3A_251, %dma_wait3A_252] : memref<4915200x128xf32, #tpu.memory_space<hbm>> -> memref<480x128xf32, #tpu.memory_space<hbm>>
        tpu.wait_dma2 semaphore(%arg18 : memref<!tpu.dma_semaphore, #tpu.memory_space<semaphore_mem>>) src(%arg10 : memref<480x128xf32, #tpu.memory_space<vmem>>) dst(%dma_wait3A_253 : memref<480x128xf32, #tpu.memory_space<hbm>>)
      } else {
      }
      %add3A_53 = arith.constant 1 : i32
      %add3A_54 = arith.addi %mul3A_33, %add3A_53 : i32
      %dma_start3A_55 = arith.constant 480 : i32
      %dma_start3A_56 = tpu.memref_slice %arg5[%dma_start3A_55] : memref<960xi32, #tpu.memory_space<vmem>> -> memref<480xi32, #tpu.memory_space<vmem>>
      %dma_start3A_57 = arith.constant 0 : i32
      %dma_start3A_58 = arith.constant 0 : i32
      %dma_start3A_59 = tpu.memref_slice %arg3[%dma_start3A_57, %dma_start3A_58] : memref<49176x128xf32, #tpu.memory_space<hbm>> -> memref<49176x128xf32, #tpu.memory_space<hbm>>
      tpu.enqueue_indirect_dma source(%dma_start3A_59 : memref<49176x128xf32, #tpu.memory_space<hbm>>) target(%arg10 : memref<480x128xf32, #tpu.memory_space<vmem>>) offsets(%dma_start3A_56 : memref<480xi32, #tpu.memory_space<vmem>>) semaphore(%arg16 : memref<!tpu.dma_semaphore, #tpu.memory_space<semaphore_mem>>)
      %dma_wait3A_60 = arith.constant 0 : i32
      %dma_wait3A_61 = arith.constant 0 : i32
      %dma_wait3A_62 = tpu.memref_slice %arg4[%dma_wait3A_60, %dma_wait3A_61] : memref<4915200x128xf32, #tpu.memory_space<hbm>> -> memref<480x128xf32, #tpu.memory_space<hbm>>
      %dma_wait3A_63 = arith.constant 0 : i32
      %dma_wait3A_64 = arith.constant 0 : i32
      %dma_wait3A_65 = tpu.memref_slice %arg4[%dma_wait3A_63, %dma_wait3A_64] : memref<4915200x128xf32, #tpu.memory_space<hbm>> -> memref<480x128xf32, #tpu.memory_space<hbm>>
      tpu.wait_dma2 semaphore(%arg16 : memref<!tpu.dma_semaphore, #tpu.memory_space<semaphore_mem>>) src(%dma_wait3A_65 : memref<480x128xf32, #tpu.memory_space<hbm>>) dst(%arg10 : memref<480x128xf32, #tpu.memory_space<vmem>>)
      %add3A_66 = arith.constant 1 : i32
      %add3A_67 = arith.addi %mul3A_33, %add3A_66 : i32
      %mul3A_68 = arith.constant 480 : i32
      %mul3A_69 = arith.muli %add3A_67, %mul3A_68 : i32
      %add3A_70 = arith.addi %mul3A_2, %mul3A_69 : i32
      %dma_start3A_71 = arith.constant 0 : i32
      %dma_start3A_72 = tpu.memref_slice %arg4[%add3A_70, %dma_start3A_71] : memref<4915200x128xf32, #tpu.memory_space<hbm>> -> memref<480x128xf32, #tpu.memory_space<hbm>>
      %dma_start3A_73 = arith.constant 0 : i32
      %dma_start3A_74 = tpu.memref_slice %arg4[%add3A_70, %dma_start3A_73] : memref<4915200x128xf32, #tpu.memory_space<hbm>> -> memref<480x128xf32, #tpu.memory_space<hbm>>
      tpu.enqueue_dma source(%arg10 : memref<480x128xf32, #tpu.memory_space<vmem>>) target(%dma_start3A_74 : memref<480x128xf32, #tpu.memory_space<hbm>>) target_semaphore(%arg18 : memref<!tpu.dma_semaphore, #tpu.memory_space<semaphore_mem>>)
      %lt3A_75 = arith.constant 159 : i32
      %lt3A_76 = arith.cmpi slt, %add3A_31, %lt3A_75 : i32
      %convert_element_type3A_77 = arith.extui %lt3A_76 : i1 to i32
      %cond3A_78 = arith.constant 0 : i32
      %cond3A_79 = arith.cmpi ne, %convert_element_type3A_77, %cond3A_78 : i32
      scf.if %cond3A_79 {
        %dma_wait3A_248 = arith.constant 0 : i32
        %dma_wait3A_249 = arith.constant 0 : i32
        %dma_wait3A_250 = tpu.memref_slice %arg4[%dma_wait3A_248, %dma_wait3A_249] : memref<4915200x128xf32, #tpu.memory_space<hbm>> -> memref<480x128xf32, #tpu.memory_space<hbm>>
        %dma_wait3A_251 = arith.constant 0 : i32
        %dma_wait3A_252 = arith.constant 0 : i32
        %dma_wait3A_253 = tpu.memref_slice %arg4[%dma_wait3A_251, %dma_wait3A_252] : memref<4915200x128xf32, #tpu.memory_space<hbm>> -> memref<480x128xf32, #tpu.memory_space<hbm>>
        tpu.wait_dma2 semaphore(%arg17 : memref<!tpu.dma_semaphore, #tpu.memory_space<semaphore_mem>>) src(%arg9 : memref<480x128xf32, #tpu.memory_space<vmem>>) dst(%dma_wait3A_253 : memref<480x128xf32, #tpu.memory_space<hbm>>)
        %dma_wait3A_254 = arith.constant 0 : i32
        %dma_wait3A_255 = tpu.memref_slice %arg2[%dma_wait3A_254] : memref<4915200xi32, #tpu.memory_space<hbm>> -> memref<960xi32, #tpu.memory_space<hbm>>
        %dma_wait3A_256 = arith.constant 0 : i32
        %dma_wait3A_257 = tpu.memref_slice %arg2[%dma_wait3A_256] : memref<4915200xi32, #tpu.memory_space<hbm>> -> memref<960xi32, #tpu.memory_space<hbm>>
        tpu.wait_dma2 semaphore(%arg12 : memref<!tpu.dma_semaphore, #tpu.memory_space<semaphore_mem>>) src(%dma_wait3A_257 : memref<960xi32, #tpu.memory_space<hbm>>) dst(%arg6 : memref<960xi32, #tpu.memory_space<vmem>>)
        %add3A_258 = arith.constant 2 : i32
        %add3A_259 = arith.addi %mul3A_33, %add3A_258 : i32
        %dma_start3A_260 = arith.constant 0 : i32
        %dma_start3A_261 = tpu.memref_slice %arg6[%dma_start3A_260] : memref<960xi32, #tpu.memory_space<vmem>> -> memref<480xi32, #tpu.memory_space<vmem>>
        %dma_start3A_262 = arith.constant 0 : i32
        %dma_start3A_263 = arith.constant 0 : i32
        %dma_start3A_264 = tpu.memref_slice %arg3[%dma_start3A_262, %dma_start3A_263] : memref<49176x128xf32, #tpu.memory_space<hbm>> -> memref<49176x128xf32, #tpu.memory_space<hbm>>
        tpu.enqueue_indirect_dma source(%dma_start3A_264 : memref<49176x128xf32, #tpu.memory_space<hbm>>) target(%arg9 : memref<480x128xf32, #tpu.memory_space<vmem>>) offsets(%dma_start3A_261 : memref<480xi32, #tpu.memory_space<vmem>>) semaphore(%arg15 : memref<!tpu.dma_semaphore, #tpu.memory_space<semaphore_mem>>)
      } else {
      }
      %mul3A_80 = arith.constant 4 : i32
      %mul3A_81 = arith.muli %mul3A_80, %scan3A_27 : i32
      %add3A_82 = arith.constant 1 : i32
      %add3A_83 = arith.addi %mul3A_81, %add3A_82 : i32
      %mul3A_84 = arith.constant 2 : i32
      %mul3A_85 = arith.muli %mul3A_84, %add3A_83 : i32
      %lt3A_86 = arith.constant 158 : i32
      %lt3A_87 = arith.cmpi slt, %add3A_83, %lt3A_86 : i32
      %convert_element_type3A_88 = arith.extui %lt3A_87 : i1 to i32
      %cond3A_89 = arith.constant 0 : i32
      %cond3A_90 = arith.cmpi ne, %convert_element_type3A_88, %cond3A_89 : i32
      scf.if %cond3A_90 {
        %add3A_248 = arith.constant 2 : i32
        %add3A_249 = arith.addi %add3A_83, %add3A_248 : i32
        %mul3A_250 = arith.constant 2 : i32
        %mul3A_251 = arith.muli %add3A_249, %mul3A_250 : i32
        %mul3A_252 = arith.constant 480 : i32
        %mul3A_253 = arith.muli %mul3A_251, %mul3A_252 : i32
        %add3A_254 = arith.addi %mul3A_2, %mul3A_253 : i32
        %dma_start3A_255 = tpu.memref_slice %arg2[%add3A_254] : memref<4915200xi32, #tpu.memory_space<hbm>> -> memref<960xi32, #tpu.memory_space<hbm>>
        %dma_start3A_256 = tpu.memref_slice %arg2[%add3A_254] : memref<4915200xi32, #tpu.memory_space<hbm>> -> memref<960xi32, #tpu.memory_space<hbm>>
        tpu.enqueue_dma source(%dma_start3A_256 : memref<960xi32, #tpu.memory_space<hbm>>) target(%arg8 : memref<960xi32, #tpu.memory_space<vmem>>) target_semaphore(%arg14 : memref<!tpu.dma_semaphore, #tpu.memory_space<semaphore_mem>>)
      } else {
      }
      %dma_wait3A_91 = arith.constant 0 : i32
      %dma_wait3A_92 = arith.constant 0 : i32
      %dma_wait3A_93 = tpu.memref_slice %arg4[%dma_wait3A_91, %dma_wait3A_92] : memref<4915200x128xf32, #tpu.memory_space<hbm>> -> memref<480x128xf32, #tpu.memory_space<hbm>>
      %dma_wait3A_94 = arith.constant 0 : i32
      %dma_wait3A_95 = arith.constant 0 : i32
      %dma_wait3A_96 = tpu.memref_slice %arg4[%dma_wait3A_94, %dma_wait3A_95] : memref<4915200x128xf32, #tpu.memory_space<hbm>> -> memref<480x128xf32, #tpu.memory_space<hbm>>
      tpu.wait_dma2 semaphore(%arg15 : memref<!tpu.dma_semaphore, #tpu.memory_space<semaphore_mem>>) src(%dma_wait3A_96 : memref<480x128xf32, #tpu.memory_space<hbm>>) dst(%arg9 : memref<480x128xf32, #tpu.memory_space<vmem>>)
      %mul3A_97 = arith.constant 480 : i32
      %mul3A_98 = arith.muli %mul3A_85, %mul3A_97 : i32
      %add3A_99 = arith.addi %mul3A_2, %mul3A_98 : i32
      %dma_start3A_100 = arith.constant 0 : i32
      %dma_start3A_101 = tpu.memref_slice %arg4[%add3A_99, %dma_start3A_100] : memref<4915200x128xf32, #tpu.memory_space<hbm>> -> memref<480x128xf32, #tpu.memory_space<hbm>>
      %dma_start3A_102 = arith.constant 0 : i32
      %dma_start3A_103 = tpu.memref_slice %arg4[%add3A_99, %dma_start3A_102] : memref<4915200x128xf32, #tpu.memory_space<hbm>> -> memref<480x128xf32, #tpu.memory_space<hbm>>
      tpu.enqueue_dma source(%arg9 : memref<480x128xf32, #tpu.memory_space<vmem>>) target(%dma_start3A_103 : memref<480x128xf32, #tpu.memory_space<hbm>>) target_semaphore(%arg17 : memref<!tpu.dma_semaphore, #tpu.memory_space<semaphore_mem>>)
      %gt3A_104 = arith.constant 0 : i32
      %gt3A_105 = arith.cmpi sgt, %add3A_83, %gt3A_104 : i32
      %convert_element_type3A_106 = arith.extui %gt3A_105 : i1 to i32
      %cond3A_107 = arith.constant 0 : i32
      %cond3A_108 = arith.cmpi ne, %convert_element_type3A_106, %cond3A_107 : i32
      scf.if %cond3A_108 {
        %dma_wait3A_248 = arith.constant 0 : i32
        %dma_wait3A_249 = arith.constant 0 : i32
        %dma_wait3A_250 = tpu.memref_slice %arg4[%dma_wait3A_248, %dma_wait3A_249] : memref<4915200x128xf32, #tpu.memory_space<hbm>> -> memref<480x128xf32, #tpu.memory_space<hbm>>
        %dma_wait3A_251 = arith.constant 0 : i32
        %dma_wait3A_252 = arith.constant 0 : i32
        %dma_wait3A_253 = tpu.memref_slice %arg4[%dma_wait3A_251, %dma_wait3A_252] : memref<4915200x128xf32, #tpu.memory_space<hbm>> -> memref<480x128xf32, #tpu.memory_space<hbm>>
        tpu.wait_dma2 semaphore(%arg18 : memref<!tpu.dma_semaphore, #tpu.memory_space<semaphore_mem>>) src(%arg10 : memref<480x128xf32, #tpu.memory_space<vmem>>) dst(%dma_wait3A_253 : memref<480x128xf32, #tpu.memory_space<hbm>>)
      } else {
      }
      %add3A_109 = arith.constant 1 : i32
      %add3A_110 = arith.addi %mul3A_85, %add3A_109 : i32
      %dma_start3A_111 = arith.constant 480 : i32
      %dma_start3A_112 = tpu.memref_slice %arg6[%dma_start3A_111] : memref<960xi32, #tpu.memory_space<vmem>> -> memref<480xi32, #tpu.memory_space<vmem>>
      %dma_start3A_113 = arith.constant 0 : i32
      %dma_start3A_114 = arith.constant 0 : i32
      %dma_start3A_115 = tpu.memref_slice %arg3[%dma_start3A_113, %dma_start3A_114] : memref<49176x128xf32, #tpu.memory_space<hbm>> -> memref<49176x128xf32, #tpu.memory_space<hbm>>
      tpu.enqueue_indirect_dma source(%dma_start3A_115 : memref<49176x128xf32, #tpu.memory_space<hbm>>) target(%arg10 : memref<480x128xf32, #tpu.memory_space<vmem>>) offsets(%dma_start3A_112 : memref<480xi32, #tpu.memory_space<vmem>>) semaphore(%arg16 : memref<!tpu.dma_semaphore, #tpu.memory_space<semaphore_mem>>)
      %dma_wait3A_116 = arith.constant 0 : i32
      %dma_wait3A_117 = arith.constant 0 : i32
      %dma_wait3A_118 = tpu.memref_slice %arg4[%dma_wait3A_116, %dma_wait3A_117] : memref<4915200x128xf32, #tpu.memory_space<hbm>> -> memref<480x128xf32, #tpu.memory_space<hbm>>
      %dma_wait3A_119 = arith.constant 0 : i32
      %dma_wait3A_120 = arith.constant 0 : i32
      %dma_wait3A_121 = tpu.memref_slice %arg4[%dma_wait3A_119, %dma_wait3A_120] : memref<4915200x128xf32, #tpu.memory_space<hbm>> -> memref<480x128xf32, #tpu.memory_space<hbm>>
      tpu.wait_dma2 semaphore(%arg16 : memref<!tpu.dma_semaphore, #tpu.memory_space<semaphore_mem>>) src(%dma_wait3A_121 : memref<480x128xf32, #tpu.memory_space<hbm>>) dst(%arg10 : memref<480x128xf32, #tpu.memory_space<vmem>>)
      %add3A_122 = arith.constant 1 : i32
      %add3A_123 = arith.addi %mul3A_85, %add3A_122 : i32
      %mul3A_124 = arith.constant 480 : i32
      %mul3A_125 = arith.muli %add3A_123, %mul3A_124 : i32
      %add3A_126 = arith.addi %mul3A_2, %mul3A_125 : i32
      %dma_start3A_127 = arith.constant 0 : i32
      %dma_start3A_128 = tpu.memref_slice %arg4[%add3A_126, %dma_start3A_127] : memref<4915200x128xf32, #tpu.memory_space<hbm>> -> memref<480x128xf32, #tpu.memory_space<hbm>>
      %dma_start3A_129 = arith.constant 0 : i32
      %dma_start3A_130 = tpu.memref_slice %arg4[%add3A_126, %dma_start3A_129] : memref<4915200x128xf32, #tpu.memory_space<hbm>> -> memref<480x128xf32, #tpu.memory_space<hbm>>
      tpu.enqueue_dma source(%arg10 : memref<480x128xf32, #tpu.memory_space<vmem>>) target(%dma_start3A_130 : memref<480x128xf32, #tpu.memory_space<hbm>>) target_semaphore(%arg18 : memref<!tpu.dma_semaphore, #tpu.memory_space<semaphore_mem>>)
      %lt3A_131 = arith.constant 159 : i32
      %lt3A_132 = arith.cmpi slt, %add3A_83, %lt3A_131 : i32
      %convert_element_type3A_133 = arith.extui %lt3A_132 : i1 to i32
      %cond3A_134 = arith.constant 0 : i32
      %cond3A_135 = arith.cmpi ne, %convert_element_type3A_133, %cond3A_134 : i32
      scf.if %cond3A_135 {
        %dma_wait3A_248 = arith.constant 0 : i32
        %dma_wait3A_249 = arith.constant 0 : i32
        %dma_wait3A_250 = tpu.memref_slice %arg4[%dma_wait3A_248, %dma_wait3A_249] : memref<4915200x128xf32, #tpu.memory_space<hbm>> -> memref<480x128xf32, #tpu.memory_space<hbm>>
        %dma_wait3A_251 = arith.constant 0 : i32
        %dma_wait3A_252 = arith.constant 0 : i32
        %dma_wait3A_253 = tpu.memref_slice %arg4[%dma_wait3A_251, %dma_wait3A_252] : memref<4915200x128xf32, #tpu.memory_space<hbm>> -> memref<480x128xf32, #tpu.memory_space<hbm>>
        tpu.wait_dma2 semaphore(%arg17 : memref<!tpu.dma_semaphore, #tpu.memory_space<semaphore_mem>>) src(%arg9 : memref<480x128xf32, #tpu.memory_space<vmem>>) dst(%dma_wait3A_253 : memref<480x128xf32, #tpu.memory_space<hbm>>)
        %dma_wait3A_254 = arith.constant 0 : i32
        %dma_wait3A_255 = tpu.memref_slice %arg2[%dma_wait3A_254] : memref<4915200xi32, #tpu.memory_space<hbm>> -> memref<960xi32, #tpu.memory_space<hbm>>
        %dma_wait3A_256 = arith.constant 0 : i32
        %dma_wait3A_257 = tpu.memref_slice %arg2[%dma_wait3A_256] : memref<4915200xi32, #tpu.memory_space<hbm>> -> memref<960xi32, #tpu.memory_space<hbm>>
        tpu.wait_dma2 semaphore(%arg13 : memref<!tpu.dma_semaphore, #tpu.memory_space<semaphore_mem>>) src(%dma_wait3A_257 : memref<960xi32, #tpu.memory_space<hbm>>) dst(%arg7 : memref<960xi32, #tpu.memory_space<vmem>>)
        %add3A_258 = arith.constant 2 : i32
        %add3A_259 = arith.addi %mul3A_85, %add3A_258 : i32
        %dma_start3A_260 = arith.constant 0 : i32
        %dma_start3A_261 = tpu.memref_slice %arg7[%dma_start3A_260] : memref<960xi32, #tpu.memory_space<vmem>> -> memref<480xi32, #tpu.memory_space<vmem>>
        %dma_start3A_262 = arith.constant 0 : i32
        %dma_start3A_263 = arith.constant 0 : i32
        %dma_start3A_264 = tpu.memref_slice %arg3[%dma_start3A_262, %dma_start3A_263] : memref<49176x128xf32, #tpu.memory_space<hbm>> -> memref<49176x128xf32, #tpu.memory_space<hbm>>
        tpu.enqueue_indirect_dma source(%dma_start3A_264 : memref<49176x128xf32, #tpu.memory_space<hbm>>) target(%arg9 : memref<480x128xf32, #tpu.memory_space<vmem>>) offsets(%dma_start3A_261 : memref<480xi32, #tpu.memory_space<vmem>>) semaphore(%arg15 : memref<!tpu.dma_semaphore, #tpu.memory_space<semaphore_mem>>)
      } else {
      }
      %mul3A_136 = arith.constant 4 : i32
      %mul3A_137 = arith.muli %mul3A_136, %scan3A_27 : i32
      %add3A_138 = arith.constant 2 : i32
      %add3A_139 = arith.addi %mul3A_137, %add3A_138 : i32
      %mul3A_140 = arith.constant 2 : i32
      %mul3A_141 = arith.muli %mul3A_140, %add3A_139 : i32
      %lt3A_142 = arith.constant 158 : i32
      %lt3A_143 = arith.cmpi slt, %add3A_139, %lt3A_142 : i32
      %convert_element_type3A_144 = arith.extui %lt3A_143 : i1 to i32
      %cond3A_145 = arith.constant 0 : i32
      %cond3A_146 = arith.cmpi ne, %convert_element_type3A_144, %cond3A_145 : i32
      scf.if %cond3A_146 {
        %add3A_248 = arith.constant 2 : i32
        %add3A_249 = arith.addi %add3A_139, %add3A_248 : i32
        %mul3A_250 = arith.constant 2 : i32
        %mul3A_251 = arith.muli %add3A_249, %mul3A_250 : i32
        %mul3A_252 = arith.constant 480 : i32
        %mul3A_253 = arith.muli %mul3A_251, %mul3A_252 : i32
        %add3A_254 = arith.addi %mul3A_2, %mul3A_253 : i32
        %dma_start3A_255 = tpu.memref_slice %arg2[%add3A_254] : memref<4915200xi32, #tpu.memory_space<hbm>> -> memref<960xi32, #tpu.memory_space<hbm>>
        %dma_start3A_256 = tpu.memref_slice %arg2[%add3A_254] : memref<4915200xi32, #tpu.memory_space<hbm>> -> memref<960xi32, #tpu.memory_space<hbm>>
        tpu.enqueue_dma source(%dma_start3A_256 : memref<960xi32, #tpu.memory_space<hbm>>) target(%arg5 : memref<960xi32, #tpu.memory_space<vmem>>) target_semaphore(%arg11 : memref<!tpu.dma_semaphore, #tpu.memory_space<semaphore_mem>>)
      } else {
      }
      %dma_wait3A_147 = arith.constant 0 : i32
      %dma_wait3A_148 = arith.constant 0 : i32
      %dma_wait3A_149 = tpu.memref_slice %arg4[%dma_wait3A_147, %dma_wait3A_148] : memref<4915200x128xf32, #tpu.memory_space<hbm>> -> memref<480x128xf32, #tpu.memory_space<hbm>>
      %dma_wait3A_150 = arith.constant 0 : i32
      %dma_wait3A_151 = arith.constant 0 : i32
      %dma_wait3A_152 = tpu.memref_slice %arg4[%dma_wait3A_150, %dma_wait3A_151] : memref<4915200x128xf32, #tpu.memory_space<hbm>> -> memref<480x128xf32, #tpu.memory_space<hbm>>
      tpu.wait_dma2 semaphore(%arg15 : memref<!tpu.dma_semaphore, #tpu.memory_space<semaphore_mem>>) src(%dma_wait3A_152 : memref<480x128xf32, #tpu.memory_space<hbm>>) dst(%arg9 : memref<480x128xf32, #tpu.memory_space<vmem>>)
      %mul3A_153 = arith.constant 480 : i32
      %mul3A_154 = arith.muli %mul3A_141, %mul3A_153 : i32
      %add3A_155 = arith.addi %mul3A_2, %mul3A_154 : i32
      %dma_start3A_156 = arith.constant 0 : i32
      %dma_start3A_157 = tpu.memref_slice %arg4[%add3A_155, %dma_start3A_156] : memref<4915200x128xf32, #tpu.memory_space<hbm>> -> memref<480x128xf32, #tpu.memory_space<hbm>>
      %dma_start3A_158 = arith.constant 0 : i32
      %dma_start3A_159 = tpu.memref_slice %arg4[%add3A_155, %dma_start3A_158] : memref<4915200x128xf32, #tpu.memory_space<hbm>> -> memref<480x128xf32, #tpu.memory_space<hbm>>
      tpu.enqueue_dma source(%arg9 : memref<480x128xf32, #tpu.memory_space<vmem>>) target(%dma_start3A_159 : memref<480x128xf32, #tpu.memory_space<hbm>>) target_semaphore(%arg17 : memref<!tpu.dma_semaphore, #tpu.memory_space<semaphore_mem>>)
      %gt3A_160 = arith.constant 0 : i32
      %gt3A_161 = arith.cmpi sgt, %add3A_139, %gt3A_160 : i32
      %convert_element_type3A_162 = arith.extui %gt3A_161 : i1 to i32
      %cond3A_163 = arith.constant 0 : i32
      %cond3A_164 = arith.cmpi ne, %convert_element_type3A_162, %cond3A_163 : i32
      scf.if %cond3A_164 {
        %dma_wait3A_248 = arith.constant 0 : i32
        %dma_wait3A_249 = arith.constant 0 : i32
        %dma_wait3A_250 = tpu.memref_slice %arg4[%dma_wait3A_248, %dma_wait3A_249] : memref<4915200x128xf32, #tpu.memory_space<hbm>> -> memref<480x128xf32, #tpu.memory_space<hbm>>
        %dma_wait3A_251 = arith.constant 0 : i32
        %dma_wait3A_252 = arith.constant 0 : i32
        %dma_wait3A_253 = tpu.memref_slice %arg4[%dma_wait3A_251, %dma_wait3A_252] : memref<4915200x128xf32, #tpu.memory_space<hbm>> -> memref<480x128xf32, #tpu.memory_space<hbm>>
        tpu.wait_dma2 semaphore(%arg18 : memref<!tpu.dma_semaphore, #tpu.memory_space<semaphore_mem>>) src(%arg10 : memref<480x128xf32, #tpu.memory_space<vmem>>) dst(%dma_wait3A_253 : memref<480x128xf32, #tpu.memory_space<hbm>>)
      } else {
      }
      %add3A_165 = arith.constant 1 : i32
      %add3A_166 = arith.addi %mul3A_141, %add3A_165 : i32
      %dma_start3A_167 = arith.constant 480 : i32
      %dma_start3A_168 = tpu.memref_slice %arg7[%dma_start3A_167] : memref<960xi32, #tpu.memory_space<vmem>> -> memref<480xi32, #tpu.memory_space<vmem>>
      %dma_start3A_169 = arith.constant 0 : i32
      %dma_start3A_170 = arith.constant 0 : i32
      %dma_start3A_171 = tpu.memref_slice %arg3[%dma_start3A_169, %dma_start3A_170] : memref<49176x128xf32, #tpu.memory_space<hbm>> -> memref<49176x128xf32, #tpu.memory_space<hbm>>
      tpu.enqueue_indirect_dma source(%dma_start3A_171 : memref<49176x128xf32, #tpu.memory_space<hbm>>) target(%arg10 : memref<480x128xf32, #tpu.memory_space<vmem>>) offsets(%dma_start3A_168 : memref<480xi32, #tpu.memory_space<vmem>>) semaphore(%arg16 : memref<!tpu.dma_semaphore, #tpu.memory_space<semaphore_mem>>)
      %dma_wait3A_172 = arith.constant 0 : i32
      %dma_wait3A_173 = arith.constant 0 : i32
      %dma_wait3A_174 = tpu.memref_slice %arg4[%dma_wait3A_172, %dma_wait3A_173] : memref<4915200x128xf32, #tpu.memory_space<hbm>> -> memref<480x128xf32, #tpu.memory_space<hbm>>
      %dma_wait3A_175 = arith.constant 0 : i32
      %dma_wait3A_176 = arith.constant 0 : i32
      %dma_wait3A_177 = tpu.memref_slice %arg4[%dma_wait3A_175, %dma_wait3A_176] : memref<4915200x128xf32, #tpu.memory_space<hbm>> -> memref<480x128xf32, #tpu.memory_space<hbm>>
      tpu.wait_dma2 semaphore(%arg16 : memref<!tpu.dma_semaphore, #tpu.memory_space<semaphore_mem>>) src(%dma_wait3A_177 : memref<480x128xf32, #tpu.memory_space<hbm>>) dst(%arg10 : memref<480x128xf32, #tpu.memory_space<vmem>>)
      %add3A_178 = arith.constant 1 : i32
      %add3A_179 = arith.addi %mul3A_141, %add3A_178 : i32
      %mul3A_180 = arith.constant 480 : i32
      %mul3A_181 = arith.muli %add3A_179, %mul3A_180 : i32
      %add3A_182 = arith.addi %mul3A_2, %mul3A_181 : i32
      %dma_start3A_183 = arith.constant 0 : i32
      %dma_start3A_184 = tpu.memref_slice %arg4[%add3A_182, %dma_start3A_183] : memref<4915200x128xf32, #tpu.memory_space<hbm>> -> memref<480x128xf32, #tpu.memory_space<hbm>>
      %dma_start3A_185 = arith.constant 0 : i32
      %dma_start3A_186 = tpu.memref_slice %arg4[%add3A_182, %dma_start3A_185] : memref<4915200x128xf32, #tpu.memory_space<hbm>> -> memref<480x128xf32, #tpu.memory_space<hbm>>
      tpu.enqueue_dma source(%arg10 : memref<480x128xf32, #tpu.memory_space<vmem>>) target(%dma_start3A_186 : memref<480x128xf32, #tpu.memory_space<hbm>>) target_semaphore(%arg18 : memref<!tpu.dma_semaphore, #tpu.memory_space<semaphore_mem>>)
      %lt3A_187 = arith.constant 159 : i32
      %lt3A_188 = arith.cmpi slt, %add3A_139, %lt3A_187 : i32
      %convert_element_type3A_189 = arith.extui %lt3A_188 : i1 to i32
      %cond3A_190 = arith.constant 0 : i32
      %cond3A_191 = arith.cmpi ne, %convert_element_type3A_189, %cond3A_190 : i32
      scf.if %cond3A_191 {
        %dma_wait3A_248 = arith.constant 0 : i32
        %dma_wait3A_249 = arith.constant 0 : i32
        %dma_wait3A_250 = tpu.memref_slice %arg4[%dma_wait3A_248, %dma_wait3A_249] : memref<4915200x128xf32, #tpu.memory_space<hbm>> -> memref<480x128xf32, #tpu.memory_space<hbm>>
        %dma_wait3A_251 = arith.constant 0 : i32
        %dma_wait3A_252 = arith.constant 0 : i32
        %dma_wait3A_253 = tpu.memref_slice %arg4[%dma_wait3A_251, %dma_wait3A_252] : memref<4915200x128xf32, #tpu.memory_space<hbm>> -> memref<480x128xf32, #tpu.memory_space<hbm>>
        tpu.wait_dma2 semaphore(%arg17 : memref<!tpu.dma_semaphore, #tpu.memory_space<semaphore_mem>>) src(%arg9 : memref<480x128xf32, #tpu.memory_space<vmem>>) dst(%dma_wait3A_253 : memref<480x128xf32, #tpu.memory_space<hbm>>)
        %dma_wait3A_254 = arith.constant 0 : i32
        %dma_wait3A_255 = tpu.memref_slice %arg2[%dma_wait3A_254] : memref<4915200xi32, #tpu.memory_space<hbm>> -> memref<960xi32, #tpu.memory_space<hbm>>
        %dma_wait3A_256 = arith.constant 0 : i32
        %dma_wait3A_257 = tpu.memref_slice %arg2[%dma_wait3A_256] : memref<4915200xi32, #tpu.memory_space<hbm>> -> memref<960xi32, #tpu.memory_space<hbm>>
        tpu.wait_dma2 semaphore(%arg14 : memref<!tpu.dma_semaphore, #tpu.memory_space<semaphore_mem>>) src(%dma_wait3A_257 : memref<960xi32, #tpu.memory_space<hbm>>) dst(%arg8 : memref<960xi32, #tpu.memory_space<vmem>>)
        %add3A_258 = arith.constant 2 : i32
        %add3A_259 = arith.addi %mul3A_141, %add3A_258 : i32
        %dma_start3A_260 = arith.constant 0 : i32
        %dma_start3A_261 = tpu.memref_slice %arg8[%dma_start3A_260] : memref<960xi32, #tpu.memory_space<vmem>> -> memref<480xi32, #tpu.memory_space<vmem>>
        %dma_start3A_262 = arith.constant 0 : i32
        %dma_start3A_263 = arith.constant 0 : i32
        %dma_start3A_264 = tpu.memref_slice %arg3[%dma_start3A_262, %dma_start3A_263] : memref<49176x128xf32, #tpu.memory_space<hbm>> -> memref<49176x128xf32, #tpu.memory_space<hbm>>
        tpu.enqueue_indirect_dma source(%dma_start3A_264 : memref<49176x128xf32, #tpu.memory_space<hbm>>) target(%arg9 : memref<480x128xf32, #tpu.memory_space<vmem>>) offsets(%dma_start3A_261 : memref<480xi32, #tpu.memory_space<vmem>>) semaphore(%arg15 : memref<!tpu.dma_semaphore, #tpu.memory_space<semaphore_mem>>)
      } else {
      }
      %mul3A_192 = arith.constant 4 : i32
      %mul3A_193 = arith.muli %mul3A_192, %scan3A_27 : i32
      %add3A_194 = arith.constant 3 : i32
      %add3A_195 = arith.addi %mul3A_193, %add3A_194 : i32
      %mul3A_196 = arith.constant 2 : i32
      %mul3A_197 = arith.muli %mul3A_196, %add3A_195 : i32
      %lt3A_198 = arith.constant 158 : i32
      %lt3A_199 = arith.cmpi slt, %add3A_195, %lt3A_198 : i32
      %convert_element_type3A_200 = arith.extui %lt3A_199 : i1 to i32
      %cond3A_201 = arith.constant 0 : i32
      %cond3A_202 = arith.cmpi ne, %convert_element_type3A_200, %cond3A_201 : i32
      scf.if %cond3A_202 {
        %add3A_248 = arith.constant 2 : i32
        %add3A_249 = arith.addi %add3A_195, %add3A_248 : i32
        %mul3A_250 = arith.constant 2 : i32
        %mul3A_251 = arith.muli %add3A_249, %mul3A_250 : i32
        %mul3A_252 = arith.constant 480 : i32
        %mul3A_253 = arith.muli %mul3A_251, %mul3A_252 : i32
        %add3A_254 = arith.addi %mul3A_2, %mul3A_253 : i32
        %dma_start3A_255 = tpu.memref_slice %arg2[%add3A_254] : memref<4915200xi32, #tpu.memory_space<hbm>> -> memref<960xi32, #tpu.memory_space<hbm>>
        %dma_start3A_256 = tpu.memref_slice %arg2[%add3A_254] : memref<4915200xi32, #tpu.memory_space<hbm>> -> memref<960xi32, #tpu.memory_space<hbm>>
        tpu.enqueue_dma source(%dma_start3A_256 : memref<960xi32, #tpu.memory_space<hbm>>) target(%arg6 : memref<960xi32, #tpu.memory_space<vmem>>) target_semaphore(%arg12 : memref<!tpu.dma_semaphore, #tpu.memory_space<semaphore_mem>>)
      } else {
      }
      %dma_wait3A_203 = arith.constant 0 : i32
      %dma_wait3A_204 = arith.constant 0 : i32
      %dma_wait3A_205 = tpu.memref_slice %arg4[%dma_wait3A_203, %dma_wait3A_204] : memref<4915200x128xf32, #tpu.memory_space<hbm>> -> memref<480x128xf32, #tpu.memory_space<hbm>>
      %dma_wait3A_206 = arith.constant 0 : i32
      %dma_wait3A_207 = arith.constant 0 : i32
      %dma_wait3A_208 = tpu.memref_slice %arg4[%dma_wait3A_206, %dma_wait3A_207] : memref<4915200x128xf32, #tpu.memory_space<hbm>> -> memref<480x128xf32, #tpu.memory_space<hbm>>
      tpu.wait_dma2 semaphore(%arg15 : memref<!tpu.dma_semaphore, #tpu.memory_space<semaphore_mem>>) src(%dma_wait3A_208 : memref<480x128xf32, #tpu.memory_space<hbm>>) dst(%arg9 : memref<480x128xf32, #tpu.memory_space<vmem>>)
      %mul3A_209 = arith.constant 480 : i32
      %mul3A_210 = arith.muli %mul3A_197, %mul3A_209 : i32
      %add3A_211 = arith.addi %mul3A_2, %mul3A_210 : i32
      %dma_start3A_212 = arith.constant 0 : i32
      %dma_start3A_213 = tpu.memref_slice %arg4[%add3A_211, %dma_start3A_212] : memref<4915200x128xf32, #tpu.memory_space<hbm>> -> memref<480x128xf32, #tpu.memory_space<hbm>>
      %dma_start3A_214 = arith.constant 0 : i32
      %dma_start3A_215 = tpu.memref_slice %arg4[%add3A_211, %dma_start3A_214] : memref<4915200x128xf32, #tpu.memory_space<hbm>> -> memref<480x128xf32, #tpu.memory_space<hbm>>
      tpu.enqueue_dma source(%arg9 : memref<480x128xf32, #tpu.memory_space<vmem>>) target(%dma_start3A_215 : memref<480x128xf32, #tpu.memory_space<hbm>>) target_semaphore(%arg17 : memref<!tpu.dma_semaphore, #tpu.memory_space<semaphore_mem>>)
      %gt3A_216 = arith.constant 0 : i32
      %gt3A_217 = arith.cmpi sgt, %add3A_195, %gt3A_216 : i32
      %convert_element_type3A_218 = arith.extui %gt3A_217 : i1 to i32
      %cond3A_219 = arith.constant 0 : i32
      %cond3A_220 = arith.cmpi ne, %convert_element_type3A_218, %cond3A_219 : i32
      scf.if %cond3A_220 {
        %dma_wait3A_248 = arith.constant 0 : i32
        %dma_wait3A_249 = arith.constant 0 : i32
        %dma_wait3A_250 = tpu.memref_slice %arg4[%dma_wait3A_248, %dma_wait3A_249] : memref<4915200x128xf32, #tpu.memory_space<hbm>> -> memref<480x128xf32, #tpu.memory_space<hbm>>
        %dma_wait3A_251 = arith.constant 0 : i32
        %dma_wait3A_252 = arith.constant 0 : i32
        %dma_wait3A_253 = tpu.memref_slice %arg4[%dma_wait3A_251, %dma_wait3A_252] : memref<4915200x128xf32, #tpu.memory_space<hbm>> -> memref<480x128xf32, #tpu.memory_space<hbm>>
        tpu.wait_dma2 semaphore(%arg18 : memref<!tpu.dma_semaphore, #tpu.memory_space<semaphore_mem>>) src(%arg10 : memref<480x128xf32, #tpu.memory_space<vmem>>) dst(%dma_wait3A_253 : memref<480x128xf32, #tpu.memory_space<hbm>>)
      } else {
      }
      %add3A_221 = arith.constant 1 : i32
      %add3A_222 = arith.addi %mul3A_197, %add3A_221 : i32
      %dma_start3A_223 = arith.constant 480 : i32
      %dma_start3A_224 = tpu.memref_slice %arg8[%dma_start3A_223] : memref<960xi32, #tpu.memory_space<vmem>> -> memref<480xi32, #tpu.memory_space<vmem>>
      %dma_start3A_225 = arith.constant 0 : i32
      %dma_start3A_226 = arith.constant 0 : i32
      %dma_start3A_227 = tpu.memref_slice %arg3[%dma_start3A_225, %dma_start3A_226] : memref<49176x128xf32, #tpu.memory_space<hbm>> -> memref<49176x128xf32, #tpu.memory_space<hbm>>
      tpu.enqueue_indirect_dma source(%dma_start3A_227 : memref<49176x128xf32, #tpu.memory_space<hbm>>) target(%arg10 : memref<480x128xf32, #tpu.memory_space<vmem>>) offsets(%dma_start3A_224 : memref<480xi32, #tpu.memory_space<vmem>>) semaphore(%arg16 : memref<!tpu.dma_semaphore, #tpu.memory_space<semaphore_mem>>)
      %dma_wait3A_228 = arith.constant 0 : i32
      %dma_wait3A_229 = arith.constant 0 : i32
      %dma_wait3A_230 = tpu.memref_slice %arg4[%dma_wait3A_228, %dma_wait3A_229] : memref<4915200x128xf32, #tpu.memory_space<hbm>> -> memref<480x128xf32, #tpu.memory_space<hbm>>
      %dma_wait3A_231 = arith.constant 0 : i32
      %dma_wait3A_232 = arith.constant 0 : i32
      %dma_wait3A_233 = tpu.memref_slice %arg4[%dma_wait3A_231, %dma_wait3A_232] : memref<4915200x128xf32, #tpu.memory_space<hbm>> -> memref<480x128xf32, #tpu.memory_space<hbm>>
      tpu.wait_dma2 semaphore(%arg16 : memref<!tpu.dma_semaphore, #tpu.memory_space<semaphore_mem>>) src(%dma_wait3A_233 : memref<480x128xf32, #tpu.memory_space<hbm>>) dst(%arg10 : memref<480x128xf32, #tpu.memory_space<vmem>>)
      %add3A_234 = arith.constant 1 : i32
      %add3A_235 = arith.addi %mul3A_197, %add3A_234 : i32
      %mul3A_236 = arith.constant 480 : i32
      %mul3A_237 = arith.muli %add3A_235, %mul3A_236 : i32
      %add3A_238 = arith.addi %mul3A_2, %mul3A_237 : i32
      %dma_start3A_239 = arith.constant 0 : i32
      %dma_start3A_240 = tpu.memref_slice %arg4[%add3A_238, %dma_start3A_239] : memref<4915200x128xf32, #tpu.memory_space<hbm>> -> memref<480x128xf32, #tpu.memory_space<hbm>>
      %dma_start3A_241 = arith.constant 0 : i32
      %dma_start3A_242 = tpu.memref_slice %arg4[%add3A_238, %dma_start3A_241] : memref<4915200x128xf32, #tpu.memory_space<hbm>> -> memref<480x128xf32, #tpu.memory_space<hbm>>
      tpu.enqueue_dma source(%arg10 : memref<480x128xf32, #tpu.memory_space<vmem>>) target(%dma_start3A_242 : memref<480x128xf32, #tpu.memory_space<hbm>>) target_semaphore(%arg18 : memref<!tpu.dma_semaphore, #tpu.memory_space<semaphore_mem>>)
      %lt3A_243 = arith.constant 159 : i32
      %lt3A_244 = arith.cmpi slt, %add3A_195, %lt3A_243 : i32
      %convert_element_type3A_245 = arith.extui %lt3A_244 : i1 to i32
      %cond3A_246 = arith.constant 0 : i32
      %cond3A_247 = arith.cmpi ne, %convert_element_type3A_245, %cond3A_246 : i32
      scf.if %cond3A_247 {
        %dma_wait3A_248 = arith.constant 0 : i32
        %dma_wait3A_249 = arith.constant 0 : i32
        %dma_wait3A_250 = tpu.memref_slice %arg4[%dma_wait3A_248, %dma_wait3A_249] : memref<4915200x128xf32, #tpu.memory_space<hbm>> -> memref<480x128xf32, #tpu.memory_space<hbm>>
        %dma_wait3A_251 = arith.constant 0 : i32
        %dma_wait3A_252 = arith.constant 0 : i32
        %dma_wait3A_253 = tpu.memref_slice %arg4[%dma_wait3A_251, %dma_wait3A_252] : memref<4915200x128xf32, #tpu.memory_space<hbm>> -> memref<480x128xf32, #tpu.memory_space<hbm>>
        tpu.wait_dma2 semaphore(%arg17 : memref<!tpu.dma_semaphore, #tpu.memory_space<semaphore_mem>>) src(%arg9 : memref<480x128xf32, #tpu.memory_space<vmem>>) dst(%dma_wait3A_253 : memref<480x128xf32, #tpu.memory_space<hbm>>)
        %dma_wait3A_254 = arith.constant 0 : i32
        %dma_wait3A_255 = tpu.memref_slice %arg2[%dma_wait3A_254] : memref<4915200xi32, #tpu.memory_space<hbm>> -> memref<960xi32, #tpu.memory_space<hbm>>
        %dma_wait3A_256 = arith.constant 0 : i32
        %dma_wait3A_257 = tpu.memref_slice %arg2[%dma_wait3A_256] : memref<4915200xi32, #tpu.memory_space<hbm>> -> memref<960xi32, #tpu.memory_space<hbm>>
        tpu.wait_dma2 semaphore(%arg11 : memref<!tpu.dma_semaphore, #tpu.memory_space<semaphore_mem>>) src(%dma_wait3A_257 : memref<960xi32, #tpu.memory_space<hbm>>) dst(%arg5 : memref<960xi32, #tpu.memory_space<vmem>>)
        %add3A_258 = arith.constant 2 : i32
        %add3A_259 = arith.addi %mul3A_197, %add3A_258 : i32
        %dma_start3A_260 = arith.constant 0 : i32
        %dma_start3A_261 = tpu.memref_slice %arg5[%dma_start3A_260] : memref<960xi32, #tpu.memory_space<vmem>> -> memref<480xi32, #tpu.memory_space<vmem>>
        %dma_start3A_262 = arith.constant 0 : i32
        %dma_start3A_263 = arith.constant 0 : i32
        %dma_start3A_264 = tpu.memref_slice %arg3[%dma_start3A_262, %dma_start3A_263] : memref<49176x128xf32, #tpu.memory_space<hbm>> -> memref<49176x128xf32, #tpu.memory_space<hbm>>
        tpu.enqueue_indirect_dma source(%dma_start3A_264 : memref<49176x128xf32, #tpu.memory_space<hbm>>) target(%arg9 : memref<480x128xf32, #tpu.memory_space<vmem>>) offsets(%dma_start3A_261 : memref<480xi32, #tpu.memory_space<vmem>>) semaphore(%arg15 : memref<!tpu.dma_semaphore, #tpu.memory_space<semaphore_mem>>)
      } else {
      }
    }
    %scan3A_15 = arith.constant 40 : i32
    %dma_wait3A = arith.constant 0 : i32
    %dma_wait3A_16 = arith.constant 0 : i32
    %dma_wait3A_17 = tpu.memref_slice %arg4[%dma_wait3A, %dma_wait3A_16] : memref<4915200x128xf32, #tpu.memory_space<hbm>> -> memref<480x128xf32, #tpu.memory_space<hbm>>
    %dma_wait3A_18 = arith.constant 0 : i32
    %dma_wait3A_19 = arith.constant 0 : i32
    %dma_wait3A_20 = tpu.memref_slice %arg4[%dma_wait3A_18, %dma_wait3A_19] : memref<4915200x128xf32, #tpu.memory_space<hbm>> -> memref<480x128xf32, #tpu.memory_space<hbm>>
    tpu.wait_dma2 semaphore(%arg17 : memref<!tpu.dma_semaphore, #tpu.memory_space<semaphore_mem>>) src(%arg9 : memref<480x128xf32, #tpu.memory_space<vmem>>) dst(%dma_wait3A_20 : memref<480x128xf32, #tpu.memory_space<hbm>>)
    %dma_wait3A_21 = arith.constant 0 : i32
    %dma_wait3A_22 = arith.constant 0 : i32
    %dma_wait3A_23 = tpu.memref_slice %arg4[%dma_wait3A_21, %dma_wait3A_22] : memref<4915200x128xf32, #tpu.memory_space<hbm>> -> memref<480x128xf32, #tpu.memory_space<hbm>>
    %dma_wait3A_24 = arith.constant 0 : i32
    %dma_wait3A_25 = arith.constant 0 : i32
    %dma_wait3A_26 = tpu.memref_slice %arg4[%dma_wait3A_24, %dma_wait3A_25] : memref<4915200x128xf32, #tpu.memory_space<hbm>> -> memref<480x128xf32, #tpu.memory_space<hbm>>
    tpu.wait_dma2 semaphore(%arg18 : memref<!tpu.dma_semaphore, #tpu.memory_space<semaphore_mem>>) src(%arg10 : memref<480x128xf32, #tpu.memory_space<vmem>>) dst(%dma_wait3A_26 : memref<480x128xf32, #tpu.memory_space<hbm>>)
    return
  }
}

</mosaic_0001>

<sc_bundles>
// kernel: kernel.3.cloned.1.call-start
scs
__scs_entry_jumppad:
0x0: {  	(pc) =	sbr.rel $0x88, $3  }
0x1: {  	(tag) =	ssettag $0x0;
	lr =	simm.s32 $0x1  }
0x2: {  	[smem:$0x3F9E] =	sst lr;
	_ =	strace $0xD0000000  }
0x3: {  	_ = 	snop  }
0x4: {  	_ = 	snop  }
0x5: {  	_ = 	snop  }
0x6: {  	_ = 	snop  }
0x7: {  	_ = 	snop  }
__scs_overlays_trampoline_lowered:
0x8: {  	[smem:$0x3FAD] =	sst s0  }
0x9: {  	[smem:$0x3FAE] =	sst s1  }
0xa: {  	[smem:$0x3FAF] =	sst s2  }
0xb: {  	[smem:$0x3FB0] =	sst s3  }
0xc: {  	[smem:$0x3FB1] =	sst s4  }
0xd: {  	[smem:$0x3FB2] =	sst s5  }
0xe: {  	[smem:$0x3FB3] =	sst s6  }
0xf: {  	[smem:$0x3FB4] =	sst s7  }
0x10: {  	[smem:$0x3FB5] =	sst s8  }
0x11: {  	[smem:$0x3FB6] =	sst s9;
	s0 =	simm.s32 @!p0 $0x0  }
0x12: {  	s1 =	sld [smem:$0x3F9C];
	s0 =	simm.s32 @p0 $0x1  }
0x13: {  	[smem:$0x3FB7] =	sst s0;
	s0 =	simm.s32 @!p1 $0x0  }
0x14: {  	s2 =	sld [smem:$0x3F9B];
	s0 =	simm.s32 @p1 $0x1  }
0x15: {  	[smem:$0x3FB8] =	sst s0;
	s0 =	simm.s32 @!p2 $0x0  }
0x16: {  	s3 =	sld [smem:$0x3FDB];
	s0 =	simm.s32 @p2 $0x1  }
0x17: {  	s4 =	simm.s32 $0x1BF5;
	[smem:$0x3FBA] =	sst s0  }
0x18: {  	s0 =	sld [smem:$0x3F9D];
	_ =	swait.ge [sflag:s4], $0x0  }
0x19: {  	s7 =	sld [smem:$0x3F9E]  }
0x1a: {  	s8 =	sadd.s32 $0xFFFFE003, lr  }
0x1b: {  	s9 =	sadd.s32 $0xFFFFFEF7, lr;
	s5 =	simm.s32 $0xFFFFFFFF;
	p2 =	slt.u32 s8, $0xFFFFF086  }
0x1c: {  	p1 =	slt.u32 s9, $0xF7A;
	s5 =	simm.s32 @!p2 $0x0  }
0x1d: {  	s5 =	simm.s32 @p1 $0x1;
	p0 =	seq.s32 s7, s2  }
0x1e: {  	s7 =	smul.u32 @!p0 $0xF7A, s2;
	p2 =	seq.s32 @!p0 s5, $0x0  }
0x1f: {  	s9 =	smul.u32 $0xF7A, s1;
	s8 =	simm.s32 @!p0 $0x1BF5;
	p2 =	por !p2, p0  }
0x20: {  	[sflag:s8] =	ssyncset.s32 @!p0 $0xFFFFF086;
	s6 =	sadd.s32 @!p0 s3, s7;
	s7 =	simm.s32 @!p0 $0x108  }
0x21: {  	s3 =	sadd.s32 s3, s9;
	s6 =	sadd.s32 @!p0 $0x88, s6;
	s7 =	simm.s32 @p2 $0x1082  }
0x22: {  	[simem:s7], [sflag:s8] =	dma.local @!p0 [hbm:s6], $0xF7A  }
0x23: {  	s9 =	sor.u32 $0xD0000000, s2;
	s6 =	simm.s32 $0x108;
	_ =	swait.ge @!p0 [sflag:s8], $0x0  }
0x24: {  	s3 =	sadd.s32 $0x88, s3;
	s6 =	simm.s32 @!p1 $0x1082;
	[sflag:s4] =	ssyncset.s32 $0xFFFFF086  }
0x25: {  	[simem:s6], [sflag:s4] =	dma.local [hbm:s3], $0xF7A  }
0x26: {  	[smem:$0x3F9E] =	sst s1;
	(tag) =	ssettag s2;
	_ =	strace s9  }
0x27: {  	s1 =	sld [smem:$0x3FAE]  }
0x28: {  	s2 =	sld [smem:$0x3FAF]  }
0x29: {  	s4 =	sld [smem:$0x3FB1]  }
0x2a: {  	p0 =	seq.s32 s5, $0x0;
	s5 =	sld [smem:$0x3FB2]  }
0x2b: {  	s6 =	sld [smem:$0x3FB3]  }
0x2c: {  	s7 =	sld [smem:$0x3FB4]  }
0x2d: {  	s3 =	simm.s32 $0x108;
	s8 =	sld [smem:$0x3FB5]  }
0x2e: {  	s3 =	simm.s32 @!p0 $0x1082;
	s9 =	sld [smem:$0x3FB6]  }
0x2f: {  	lr =	sadd.s32 s0, s3;
	s0 =	sld [smem:$0x3FAD]  }
0x30: {  	s3 =	sld [smem:$0x3FB0]  }
0x31: {  	[smem:$0x3FB9] =	sst s10  }
0x32: {  	s10 =	sld [smem:$0x3FB7];
	_ =	sdelay $0x3  }
0x33: {  	p0 =	seq.s32 s10, $0x1;
	s10 =	sld [smem:$0x3FB9];
	_ =	sdelay $0x3  }
0x34: {  	[smem:$0x3FB9] =	sst s10  }
0x35: {  	s10 =	sld [smem:$0x3FB8];
	_ =	sdelay $0x3  }
0x36: {  	p1 =	seq.s32 s10, $0x1;
	s10 =	sld [smem:$0x3FB9];
	_ =	sdelay $0x3  }
0x37: {  	[smem:$0x3FB9] =	sst s10  }
0x38: {  	s10 =	sld [smem:$0x3FBA]  }
0x39: {  	_ = 	snop;
	(pc) =	sbr.ind lr, $3  }
0x3a: {  	_ = 	snop  }
0x3b: {  	_ = 	snop  }
0x3c: {  	p2 =	seq.s32 s10, $0x1;
	s10 =	sld [smem:$0x3FB9]  }
0x3d: {  	_ =	shalt  }
0x3e: {  	_ =	shalt  }
0x3f: {  	_ =	shalt  }
0x40: {  	_ =	shalt  }
0x41: {  	_ =	shalt  }
0x42: {  	_ =	shalt  }
0x43: {  	_ =	shalt  }
0x44: {  	_ =	shalt  }
0x45: {  	_ =	shalt  }
0x46: {  	_ =	shalt  }
0x47: {  	_ =	shalt  }
0x48: {  	_ =	shalt  }
0x49: {  	_ =	shalt  }
0x4a: {  	_ =	shalt  }
0x4b: {  	_ =	shalt  }
0x4c: {  	_ =	shalt  }
0x4d: {  	_ =	shalt  }
0x4e: {  	_ =	shalt  }
0x4f: {  	_ =	shalt  }
0x50: {  	_ =	shalt  }
0x51: {  	_ =	shalt  }
0x52: {  	_ =	shalt  }
0x53: {  	_ =	shalt  }
0x54: {  	_ =	shalt  }
0x55: {  	_ =	shalt  }
0x56: {  	_ =	shalt  }
0x57: {  	_ =	shalt  }
0x58: {  	_ =	shalt  }
0x59: {  	_ =	shalt  }
0x5a: {  	_ =	shalt  }
0x5b: {  	_ =	shalt  }
0x5c: {  	_ =	shalt  }
0x5d: {  	_ =	shalt  }
0x5e: {  	_ =	shalt  }
0x5f: {  	_ =	shalt  }
0x60: {  	_ =	shalt  }
0x61: {  	_ =	shalt  }
0x62: {  	_ =	shalt  }
0x63: {  	_ =	shalt  }
0x64: {  	_ =	shalt  }
0x65: {  	_ =	shalt  }
0x66: {  	_ =	shalt  }
0x67: {  	_ =	shalt  }
0x68: {  	_ =	shalt  }
0x69: {  	_ =	shalt  }
0x6a: {  	_ =	shalt  }
0x6b: {  	_ =	shalt  }
0x6c: {  	_ =	shalt  }
0x6d: {  	_ =	shalt  }
0x6e: {  	_ =	shalt  }
0x6f: {  	_ =	shalt  }
0x70: {  	_ =	shalt  }
0x71: {  	_ =	shalt  }
0x72: {  	_ =	shalt  }
0x73: {  	_ =	shalt  }
0x74: {  	_ =	shalt  }
0x75: {  	_ =	shalt  }
0x76: {  	_ =	shalt  }
0x77: {  	_ =	shalt  }
0x78: {  	_ =	shalt  }
0x79: {  	_ =	shalt  }
0x7a: {  	_ =	shalt  }
0x7b: {  	_ =	shalt  }
0x7c: {  	_ =	shalt  }
0x7d: {  	_ =	shalt  }
0x7e: {  	_ =	shalt  }
0x7f: {  	_ =	shalt  }
0x80: {  	_ =	shalt  }
0x81: {  	_ =	shalt  }
0x82: {  	_ =	shalt  }
0x83: {  	_ =	shalt  }
0x84: {  	_ =	shalt  }
0x85: {  	_ =	shalt  }
0x86: {  	_ =	shalt  }
0x87: {  	_ =	shalt  }
.Lfunc_end0:
.L_simem_size_0:
called_computation_lowered:
.L_overlay_start_0:
0x88: {  	s2 =	sld [smem:$0x3FD9]  }
0x89: {  	s3 =	sld [smem:$0x3FFE];
	_ =	sdelay $0x1  }
0x8a: {  	s1 =	srdreg.scid  }
0x8b: {  	s0 =	sand.u32 $0x1, s1  }
0x8c: {  	s17 =	sshll.u32 s0, $0xA;
	s2 =	sadd.s32 s3, s2  }
0x8d: {  	s2 =	sadd.s32 s2, s17  }
0x8e: {  	[smem:$0x3FC5] =	sst s2  }
0x8f: {  	_ = 	snop  }
0x90: {  	s2 =	sld [smem:$0x3FD0];
	(tm) =	ssettm $0x1  }
0x91: {  	s18 =	sld [smem:$0x3FFB];
	_ =	sdelay $0x3  }
0x92: {  	_ =	strace s18  }
0x93: {  	s3 =	sld [smem:$0x3FFC];
	_ =	sdelay $0x3  }
0x94: {  	_ =	strace s3  }
0x95: {  	s3 =	sld [smem:$0x3FFD];
	_ =	sdelay $0x3  }
0x96: {  	_ =	strace s3  }
0x97: {  	_ =	strace $0x8FFFFFFF  }
0x98: {  	s19 =	sld [smem:$0x3FDB];
	_ =	sdelay $0x1  }
0x99: {  	s4 =	simm.s32 $_scs_section_size  }
0x9a: {  	s5 =	simm.s32 $_size__tile_overlayer_lowered;
	s6 =	simm.s32 $_tile_overlayer_lowered  }
0x9b: {  	s22 =	simm.s32 $0x1BFF;
	s21 =	sshll.u32 s6, $0x1;
	s3 =	sadd.s32 s4, s19  }
0x9c: {  	s7 =	simm.s32 $0x0;
	s20 =	sshll.u32 s5, $0x1;
	s5 =	sadd.s32 s21, s3  }
0x9d: {  	[timem:s7], [sflag:s22] =	dma.local [hbm:s5], s20  }
0x9e: {  	_ =	swait.ge [sflag:s22], s20  }
0x9f: {  	s4 =	ssub.s32 $0x0, s20;
	[sflag:s22] =	ssyncset.done $0x0  }
0xa0: {  	[sflag:s22] =	ssyncadd.s32 s4;
	_ =	sdelay $0x1  }
0xa1: {  	s23 =	simm.s32 $0x1B8B  }
0xa2: {  	_ =	swait.ge [sflag:s23], $0x1  }
0xa3: {  	[sflag:s23] =	ssyncset.done $0x0  }
0xa4: {  	s25 =	simm.s32 $0x1B8E;
	s24 =	sld [smem:$0x3FFE];
	[sflag:s23] =	ssyncadd.s32 $0xFFFFFFFF  }
0xa5: {  	s26 =	simm.s32 $execute0_lowered;
	[smem:$0x3FD2] =	sst s25  }
0xa6: {  	s5 =	sshll.u32 s26, $0x1;
	_ =	strace $0x80000046;
	[dreg:$0x1] =	wrdreg $0xFFFFFFFF  }
0xa7: {  	s28 =	simm.s32 $_size_execute0_lowered;
	s3 =	sadd.s32 s3, s5;
	[dreg:$0x0] =	wrdreg $0x0  }
0xa8: {  	s5 =	sshll.u32 s28, $0x1;
	[dreg:$0x2] =	wrdreg s3  }
0xa9: {  	[dreg:$0x3] =	wrdreg s5  }
0xaa: {  	[dreg:$0x4] =	wrdreg $0xC0  }
0xab: {  	_ =	task [dreg:s7], $0x5FFFF  }
0xac: {  	[dreg:$0x1] =	wrdreg $0xFFFFFFFF  }
0xad: {  	[dreg:$0x0] =	wrdreg $0x60  }
0xae: {  	[dreg:$0x2] =	wrdreg s24  }
0xaf: {  	[dreg:$0x3] =	wrdreg s2  }
0xb0: {  	[dreg:$0x4] =	wrdreg $0x9  }
0xb1: {  	_ =	task.clear_ibuf [dreg:s7], $0x5FFFF;
	_ =	strace $0x90000046  }
0xb2: {  	s29 =	simm.s32 $0x9;
	_ =	strace $0x80000048  }
0xb3: {  	_ =	swait.ge [sflag:s29], $0x1  }
0xb4: {  	[sflag:s29] =	ssyncadd.s32 $0xFFFFFFFF  }
0xb5: {  	_ =	strace $0x90000048  }
0xb6: {  	_ =	sfence  }
0xb7: {  	s30 =	sld [smem:$0x0];
	_ =	sdelay $0x2  }
0xb8: {  	s31 =	sshll.u32 s1, $0xD;
	s1 =	sshrl.u32 s1, $0x2  }
0xb9: {  	s3 =	sand.u32 $0x4000, s31;
	s1 =	sadd.s32 s1, s30  }
0xba: {  	s0 =	sor.u32 s3, s0;
	s1 =	sshll.u32 s1, $0x11  }
0xbb: {  	s0 =	sor.u32 s1, s0  }
0xbc: {  	s0 =	sadd.s32 $0x8F2B, s0  }
0xbd: {  	[sflag:s0] =	ssyncadd.remote.s32 $0x1  }
0xbe: {  	_ =	sfence.sel $0xFFFF  }
0xbf: {  	[dreg:$0x0] =	wrdreg $0xFFFFFFFF;
	(pc) =	sbr.abs _section_cstart, $3  }
0xc0: {  	[dreg:$0x1] =	wrdreg $0xFFFFFFFF  }
0xc1: {  	_ =	task.clear_ibuf [dreg:s7], $0x2FFFF;
	_ =	strace $0x9FFFFFFF  }
0xc2: {  	(tm) =	ssettm $0x7FFFFFFF  }
0xc3: {  	_ =	shalt  }
tec
execute0_lowered:
.L_overlay_start_1:
0x0: {  	(tag) =	ssettag $0x1  }
0x1: {  	s0 =	srdreg.scid;
	s1 =	rddreg [dreg:$0x0]  }
0x2: {  	s9 =	stileid.u32;
	s5 =	rddreg [dreg:$0x1];
	s13 =	simm.s32 $0x400  }
0x3: {  	s14 =	simm.s32 $0x1E0;
	s15 =	simm.s32 $0x1000;
	s16 =	simm.s32 $0x800  }
0x4: {  	s17 =	simm.s32 $0x5;
	s18 =	simm.s32 $0x10000;
	s19 =	simm.s32 $0x6  }
0x5: {  	s20 =	simm.s32 $0x7;
	s21 =	simm.s32 $0x2;
	s29 =	simm.s32 $0x5E0  }
0x6: {  	s30 =	simm.s32 $0x9E0;
	s31 =	simm.s32 $0xDE0;
	s7 =	smul.u32 $0x4B0000, s9  }
0x7: {  	s0 =	sand.u32 $0x1, s0;
	s2 =	sshll.u32 s9, $0x1;
	s9 =	smul.u32 $0x4B000, s9  }
0x8: {  	s4 =	sadd.s32 $0x96800, s1;
	s3 =	sor.u32 s0, s2;
	s8 =	smul.u32 $0x258000, s0  }
0x9: {  	s2 =	simm.s32 $0x0;
	s22 =	ssub.s32 $0x2, s0;
	s0 =	smul.u32 $0x25800, s0  }
0xa: {  	s6 =	smul.u32 $0x25800, s3;
	[smem:$0x7FF] =	sst s2;
	s3 =	sadd.s32 $0x800, s1  }
0xb: {  	s10 =	sshrl.u32 s22, $0x1;
	s5 =	sadd.s32 s7, s5;
	_ =	strace $0x80000047  }
0xc: {  	s1 =	ssub.s32 s22, s10;
	s5 =	sadd.s32 s8, s5;
	[dreg:$0x4] =	wrdreg s29  }
0xd: {  	s23 =	sadd.s32 s0, s9;
	s22 =	simm.s32 $0xC00;
	[dreg:$0x5] =	wrdreg s30  }
0xe: {  	[dreg:$0x6] =	wrdreg s31;
	s6 =	sshrl.u32 s6, $0x3;
	s24 =	smax.u32 s1, $0x1  }
0xf: {  	[dreg:$0x3] =	wrdreg s5;
	s25 =	sadd.s32 $0x12C0, s23;
	s26 =	sadd.s32 $0xB40, s23  }
0x10: {  	s28 =	sor.u32 $0x780, s23;
	s6 =	sadd.s32 s3, s6;
	[dreg:$0x9] =	wrdreg s24  }
0x11: {  	s0 =	sshrl.u32 s25, $0x3;
	s1 =	sshrl.u32 s26, $0x3;
	s5 =	sshrl.u32 s28, $0x3  }
0x12: {  	s24 =	simm.s32 $0x3;
	s25 =	simm.s32 $0x4;
	s26 =	simm.s32 $0x0  }
0x13: {  	[dreg:$0x7] =	wrdreg s6;
	s6 =	sadd.s32 $0x78, s6;
	s0 =	sadd.s32 s0, s3  }
0x14: {  	s10 =	sadd.s32 s1, s3;
	[dreg:$0x8] =	wrdreg s6;
	s6 =	sadd.s32 $0xF00, s23  }
0x15: {  	s11 =	sadd.s32 s5, s3;
	s23 =	simm.s32 $0x8;
	[dreg:$0xa] =	wrdreg s6  }
.LBB2_1:
0x16: {  	s1 =	rddreg [dreg:$0x7];
	s9 =	simm.s32 $0x9  }
0x17: {  	[tilespmem:s2], [sflag:$0x9] =	stream.linear.gather [hbm4b:s1+s2], $0x3C0, $0x38;
	[tilespmem:$0x1F000] =	vst v63  }
0x18: {  	_ =	swait.ge [sflag:s9], $0x3C0  }
0x19: {  	[sflag:s9] =	ssyncset.done $0x0  }
0x1a: {  	s12 =	rddreg [dreg:$0x8];
	[sflag:s9] =	ssyncadd.s32 $0xFFFFFC40  }
0x1b: {  	[tilespmem:s13], [sflag:$0x2] =	stream.linear.gather [hbm4b:s12+s2], $0x3C0, $0x38;
	[tilespmem:$0x1F000] =	vst v63  }
0x1c: {  	_ = 	snop  }
0x1d: {  	[tilespmem:s15], [sflag:$0x5] =	stream.indirect.gather [hbm4b:s4+s14], $0x80, s2, s14, $0xb8;
	[tilespmem:$0x1F000] =	vst v63  }
0x1e: {  	_ = 	snop  }
0x1f: {  	[tilespmem:s16], [sflag:$0x3] =	stream.linear.gather [hbm4b:s11+s2], $0x3C0, $0x38;
	[tilespmem:$0x1F000] =	vst v63  }
0x20: {  	_ =	swait.ge [sflag:s17], $0xF000  }
0x21: {  	p0 =	por $0x1, $0x1;
	s5 =	rddreg [dreg:$0x3];
	[sflag:s17] =	ssyncset.done $0x0  }
0x22: {  	[sflag:s17] =	ssyncadd.s32 $0xFFFF1000;
	s1 =	sadd.s32 $0x0, s5;
	s5 =	simm.s32 @!p0 $0x8  }
0x23: {  	[hbm4b:s1+s2] =	stream.linear.scatter [tilespmem:s15], [sflag:$0x7], $0xF000, $0x38;
	[tilespmem:$0x1F000] =	vst v63  }
0x24: {  	_ =	swait.ge @!p0 [sflag:s5], $0xF000  }
0x25: {  	[sflag:s5] =	ssyncset.done @!p0 $0x0  }
0x26: {  	[sflag:s5] =	ssyncadd.s32 @!p0 $0xFFFF1000  }
0x27: {  	[tilespmem:s18], [sflag:$0x6] =	stream.indirect.gather [hbm4b:s4+s14], $0x80, s14, s14, $0xb8;
	[tilespmem:$0x1F000] =	vst v63  }
0x28: {  	_ =	swait.ge [sflag:s19], $0xF000  }
0x29: {  	[sflag:s19] =	ssyncset.done $0x0  }
0x2a: {  	s6 =	sadd.s32 $0x1E00, s1;
	[sflag:s19] =	ssyncadd.s32 $0xFFFF1000  }
0x2b: {  	[hbm4b:s6+s2] =	stream.linear.scatter [tilespmem:s18], [sflag:$0x8], $0xF000, $0x38;
	[tilespmem:$0x1F000] =	vst v63  }
0x2c: {  	_ =	swait.ge [sflag:s20], $0xF000  }
0x2d: {  	[sflag:s20] =	ssyncset.done $0x0  }
0x2e: {  	[sflag:s20] =	ssyncadd.s32 $0xFFFF1000  }
0x2f: {  	_ =	swait.ge [sflag:s21], $0x3C0  }
0x30: {  	[sflag:s21] =	ssyncset.done $0x0  }
0x31: {  	[sflag:s21] =	ssyncadd.s32 $0xFFFFFC40  }
0x32: {  	[tilespmem:s15], [sflag:$0x5] =	stream.indirect.gather [hbm4b:s4+s14], $0x80, s13, s14, $0xb8;
	[tilespmem:$0x1F000] =	vst v63  }
0x33: {  	_ = 	snop  }
0x34: {  	[tilespmem:s22], [sflag:$0x4] =	stream.linear.gather [hbm4b:s10+s2], $0x3C0, $0x38;
	[tilespmem:$0x1F000] =	vst v63  }
0x35: {  	_ =	swait.ge [sflag:s17], $0xF000  }
0x36: {  	[sflag:s17] =	ssyncset.done $0x0  }
0x37: {  	s7 =	sadd.s32 $0x3C00, s1;
	[sflag:s17] =	ssyncadd.s32 $0xFFFF1000  }
0x38: {  	[hbm4b:s7+s2] =	stream.linear.scatter [tilespmem:s15], [sflag:$0x7], $0xF000, $0x38;
	[tilespmem:$0x1F000] =	vst v63  }
0x39: {  	_ =	swait.ge [sflag:s23], $0xF000  }
0x3a: {  	[sflag:s23] =	ssyncset.done $0x0  }
0x3b: {  	s8 =	rddreg [dreg:$0x4];
	[sflag:s23] =	ssyncadd.s32 $0xFFFF1000  }
0x3c: {  	[tilespmem:s18], [sflag:$0x6] =	stream.indirect.gather [hbm4b:s4+s14], $0x80, s8, s14, $0xb8;
	[tilespmem:$0x1F000] =	vst v63  }
0x3d: {  	_ =	swait.ge [sflag:s19], $0xF000  }
0x3e: {  	[sflag:s19] =	ssyncset.done $0x0  }
0x3f: {  	s9 =	sadd.s32 $0x5A00, s1;
	[sflag:s19] =	ssyncadd.s32 $0xFFFF1000  }
0x40: {  	[hbm4b:s9+s2] =	stream.linear.scatter [tilespmem:s18], [sflag:$0x8], $0xF000, $0x38;
	[tilespmem:$0x1F000] =	vst v63  }
0x41: {  	_ =	swait.ge [sflag:s20], $0xF000  }
0x42: {  	[sflag:s20] =	ssyncset.done $0x0  }
0x43: {  	[sflag:s20] =	ssyncadd.s32 $0xFFFF1000  }
0x44: {  	_ =	swait.ge [sflag:s24], $0x3C0  }
0x45: {  	p0 =	por $0x0, $0x0;
	[sflag:s24] =	ssyncset.done $0x0;
	s9 =	rddreg [dreg:$0xa]  }
0x46: {  	[sflag:s24] =	ssyncadd.s32 $0xFFFFFC40;
	s5 =	sshrl.u32 @!p0 s9, $0x3  }
0x47: {  	[tilespmem:s15], [sflag:$0x5] =	stream.indirect.gather [hbm4b:s4+s14], $0x80, s16, s14, $0xb8;
	[tilespmem:$0x1F000] =	vst v63  }
0x48: {  	s6 =	simm.s32 @!p0 $0x0;
	s5 =	sadd.s32 @!p0 s3, s5  }
0x49: {  	[tilespmem:s6], [sflag:$0x1] =	stream.linear.gather @!p0 [hbm4b:s5+s6], $0x3C0, $0x38;
	[tilespmem:$0x1F000] =	vst v63  }
0x4a: {  	_ =	swait.ge [sflag:s17], $0xF000  }
0x4b: {  	[sflag:s17] =	ssyncset.done $0x0  }
0x4c: {  	s12 =	sadd.s32 $0x7800, s1;
	[sflag:s17] =	ssyncadd.s32 $0xFFFF1000  }
0x4d: {  	[hbm4b:s12+s2] =	stream.linear.scatter [tilespmem:s15], [sflag:$0x7], $0xF000, $0x38;
	[tilespmem:$0x1F000] =	vst v63  }
0x4e: {  	_ =	swait.ge [sflag:s23], $0xF000  }
0x4f: {  	[sflag:s23] =	ssyncset.done $0x0  }
0x50: {  	s6 =	rddreg [dreg:$0x5];
	[sflag:s23] =	ssyncadd.s32 $0xFFFF1000  }
0x51: {  	[tilespmem:s18], [sflag:$0x6] =	stream.indirect.gather [hbm4b:s4+s14], $0x80, s6, s14, $0xb8;
	[tilespmem:$0x1F000] =	vst v63  }
0x52: {  	_ =	swait.ge [sflag:s19], $0xF000  }
0x53: {  	[sflag:s19] =	ssyncset.done $0x0  }
0x54: {  	s7 =	sadd.s32 $0x9600, s1;
	[sflag:s19] =	ssyncadd.s32 $0xFFFF1000  }
0x55: {  	[hbm4b:s7+s2] =	stream.linear.scatter [tilespmem:s18], [sflag:$0x8], $0xF000, $0x38;
	[tilespmem:$0x1F000] =	vst v63  }
0x56: {  	_ =	swait.ge [sflag:s20], $0xF000  }
0x57: {  	[sflag:s20] =	ssyncset.done $0x0  }
0x58: {  	[sflag:s20] =	ssyncadd.s32 $0xFFFF1000  }
0x59: {  	_ =	swait.ge [sflag:s25], $0x3C0  }
0x5a: {  	[sflag:s25] =	ssyncset.done $0x0  }
0x5b: {  	p0 =	por $0x0, $0x0;
	[sflag:s25] =	ssyncadd.s32 $0xFFFFFC40  }
0x5c: {  	[tilespmem:s15], [sflag:$0x5] =	stream.indirect.gather [hbm4b:s4+s14], $0x80, s22, s14, $0xb8;
	[tilespmem:$0x1F000] =	vst v63  }
0x5d: {  	s5 =	simm.s32 @!p0 $0x0;
	s6 =	simm.s32 @!p0 $0x400  }
0x5e: {  	[tilespmem:s6], [sflag:$0x2] =	stream.linear.gather @!p0 [hbm4b:s0+s5], $0x3C0, $0x38;
	[tilespmem:$0x1F000] =	vst v63  }
0x5f: {  	_ =	swait.ge [sflag:s17], $0xF000  }
0x60: {  	[sflag:s17] =	ssyncset.done $0x0  }
0x61: {  	s8 =	sadd.s32 $0xB400, s1;
	[sflag:s17] =	ssyncadd.s32 $0xFFFF1000  }
0x62: {  	[hbm4b:s8+s2] =	stream.linear.scatter [tilespmem:s15], [sflag:$0x7], $0xF000, $0x38;
	[tilespmem:$0x1F000] =	vst v63  }
0x63: {  	_ =	swait.ge [sflag:s23], $0xF000  }
0x64: {  	[sflag:s23] =	ssyncset.done $0x0  }
0x65: {  	s12 =	rddreg [dreg:$0x6];
	[sflag:s23] =	ssyncadd.s32 $0xFFFF1000  }
0x66: {  	[tilespmem:s18], [sflag:$0x6] =	stream.indirect.gather [hbm4b:s4+s14], $0x80, s12, s14, $0xb8;
	[tilespmem:$0x1F000] =	vst v63  }
0x67: {  	s28 =	simm.s32 $0xF000;
	_ =	swait.ge [sflag:s19], $0xF000  }
0x68: {  	p1 =	por $0x0, $0x0;
	s29 =	sadd.s32 $0x1E0, s11;
	[sflag:s19] =	ssyncset.done $0x0  }
0x69: {  	s1 =	sadd.s32 $0xD200, s1;
	s8 =	simm.s32 @!p1 $0x7;
	[sflag:s19] =	ssyncadd.s32 $0xFFFF1000  }
0x6a: {  	[hbm4b:s1+s2] =	stream.linear.scatter [tilespmem:s18], [sflag:$0x8], $0xF000, $0x38;
	[tilespmem:$0x1F000] =	vst v63  }
0x6b: {  	s30 =	simm.s32 $0x7;
	s31 =	sadd.s32 $0xF00, s9;
	_ =	swait.ge @!p1 [sflag:s8], $0xF000  }
0x6c: {  	s7 =	simm.s32 @!p1 $0x0;
	s6 =	simm.s32 @!p1 $0x1E0;
	[sflag:s8] =	ssyncset.done @!p1 $0x0  }
0x6d: {  	s5 =	simm.s32 @!p1 $0x1000;
	s12 =	simm.s32 @!p1 $0x1;
	[sflag:s8] =	ssyncadd.s32 @!p1 $0xFFFF1000  }
0x6e: {  	s1 =	sadd.s32 $0x1E0, s10;
	s8 =	smov.u32 s0;
	_ =	swait.ge @!p1 [sflag:s12], $0x3C0  }
.LBB2_2:
0x6f: {  	[sflag:s12] =	ssyncset.done @!p1 $0x0  }
0x70: {  	[sflag:s12] =	ssyncadd.s32 @!p1 $0xFFFFFC40  }
0x71: {  	[tilespmem:s5], [sflag:$0x5] =	stream.indirect.gather @!p1 [hbm4b:s4+s6], $0x80, s7, s6, $0xb8;
	[tilespmem:$0x1F000] =	vst v63  }
0x72: {  	_ = 	snop  }
0x73: {  	[tilespmem:s16], [sflag:$0x3] =	stream.linear.gather [hbm4b:s29+s2], $0x3C0, $0x38;
	[tilespmem:$0x1F000] =	vst v63  }
0x74: {  	s9 =	smov.u32 s28;
	_ =	swait.ge [sflag:s17], $0xF000  }
0x75: {  	p1 =	seq.s32 s9, $0x0;
	s7 =	rddreg [dreg:$0x3];
	[sflag:s17] =	ssyncset.done $0x0  }
0x76: {  	s5 =	simm.s32 @!p1 $0x8;
	[sflag:s17] =	ssyncadd.s32 $0xFFFF1000;
	s6 =	sadd.s32 s9, s7  }
0x77: {  	[hbm4b:s6+s2] =	stream.linear.scatter [tilespmem:s15], [sflag:$0x7], $0xF000, $0x38;
	[tilespmem:$0x1F000] =	vst v63  }
0x78: {  	_ =	swait.ge @!p1 [sflag:s5], $0xF000  }
0x79: {  	[sflag:s5] =	ssyncset.done @!p1 $0x0  }
0x7a: {  	[sflag:s5] =	ssyncadd.s32 @!p1 $0xFFFF1000  }
0x7b: {  	[tilespmem:s18], [sflag:$0x6] =	stream.indirect.gather [hbm4b:s4+s14], $0x80, s14, s14, $0xb8;
	[tilespmem:$0x1F000] =	vst v63  }
0x7c: {  	_ =	swait.ge [sflag:s19], $0xF000  }
0x7d: {  	[sflag:s19] =	ssyncset.done $0x0  }
0x7e: {  	s9 =	sadd.s32 $0x1E00, s6;
	[sflag:s19] =	ssyncadd.s32 $0xFFFF1000  }
0x7f: {  	[hbm4b:s9+s2] =	stream.linear.scatter [tilespmem:s18], [sflag:$0x8], $0xF000, $0x38;
	[tilespmem:$0x1F000] =	vst v63  }
0x80: {  	_ =	swait.ge [sflag:s20], $0xF000  }
0x81: {  	[sflag:s20] =	ssyncset.done $0x0  }
0x82: {  	[sflag:s20] =	ssyncadd.s32 $0xFFFF1000  }
0x83: {  	_ =	swait.ge [sflag:s21], $0x3C0  }
0x84: {  	[sflag:s21] =	ssyncset.done $0x0  }
0x85: {  	[sflag:s21] =	ssyncadd.s32 $0xFFFFFC40  }
0x86: {  	[tilespmem:s15], [sflag:$0x5] =	stream.indirect.gather [hbm4b:s4+s14], $0x80, s13, s14, $0xb8;
	[tilespmem:$0x1F000] =	vst v63  }
0x87: {  	_ = 	snop  }
0x88: {  	[tilespmem:s22], [sflag:$0x4] =	stream.linear.gather [hbm4b:s1+s2], $0x3C0, $0x38;
	[tilespmem:$0x1F000] =	vst v63  }
0x89: {  	_ =	swait.ge [sflag:s17], $0xF000  }
0x8a: {  	[sflag:s17] =	ssyncset.done $0x0  }
0x8b: {  	s12 =	sadd.s32 $0x3C00, s6;
	[sflag:s17] =	ssyncadd.s32 $0xFFFF1000  }
0x8c: {  	[hbm4b:s12+s2] =	stream.linear.scatter [tilespmem:s15], [sflag:$0x7], $0xF000, $0x38;
	[tilespmem:$0x1F000] =	vst v63  }
0x8d: {  	_ =	swait.ge [sflag:s23], $0xF000  }
0x8e: {  	[sflag:s23] =	ssyncset.done $0x0  }
0x8f: {  	s7 =	rddreg [dreg:$0x4];
	[sflag:s23] =	ssyncadd.s32 $0xFFFF1000  }
0x90: {  	[tilespmem:s18], [sflag:$0x6] =	stream.indirect.gather [hbm4b:s4+s14], $0x80, s7, s14, $0xb8;
	[tilespmem:$0x1F000] =	vst v63  }
0x91: {  	_ =	swait.ge [sflag:s19], $0xF000  }
0x92: {  	[sflag:s19] =	ssyncset.done $0x0  }
0x93: {  	s9 =	sadd.s32 $0x5A00, s6;
	[sflag:s19] =	ssyncadd.s32 $0xFFFF1000  }
0x94: {  	[hbm4b:s9+s2] =	stream.linear.scatter [tilespmem:s18], [sflag:$0x8], $0xF000, $0x38;
	[tilespmem:$0x1F000] =	vst v63  }
0x95: {  	_ =	swait.ge [sflag:s20], $0xF000  }
0x96: {  	[sflag:s20] =	ssyncset.done $0x0  }
0x97: {  	[sflag:s20] =	ssyncadd.s32 $0xFFFF1000  }
0x98: {  	s12 =	sadd.s32 $0xFFFFFFFF, s30;
	_ =	swait.ge [sflag:s24], $0x3C0  }
0x99: {  	p1 =	sgt.u32 s12, $0x9D;
	[sflag:s24] =	ssyncset.done $0x0  }
0x9a: {  	s5 =	sshrl.u32 @!p1 s31, $0x3;
	[sflag:s24] =	ssyncadd.s32 $0xFFFFFC40  }
0x9b: {  	[tilespmem:s15], [sflag:$0x5] =	stream.indirect.gather [hbm4b:s4+s14], $0x80, s16, s14, $0xb8;
	[tilespmem:$0x1F000] =	vst v63  }
0x9c: {  	s5 =	sadd.s32 @!p1 s3, s5;
	s7 =	simm.s32 @!p1 $0x0  }
0x9d: {  	[tilespmem:s7], [sflag:$0x1] =	stream.linear.gather @!p1 [hbm4b:s5+s7], $0x3C0, $0x38;
	[tilespmem:$0x1F000] =	vst v63  }
0x9e: {  	_ =	swait.ge [sflag:s17], $0xF000  }
0x9f: {  	[sflag:s17] =	ssyncset.done $0x0  }
0xa0: {  	s7 =	sadd.s32 $0x7800, s6;
	[sflag:s17] =	ssyncadd.s32 $0xFFFF1000  }
0xa1: {  	[hbm4b:s7+s2] =	stream.linear.scatter [tilespmem:s15], [sflag:$0x7], $0xF000, $0x38;
	[tilespmem:$0x1F000] =	vst v63  }
0xa2: {  	_ =	swait.ge [sflag:s23], $0xF000  }
0xa3: {  	[sflag:s23] =	ssyncset.done $0x0  }
0xa4: {  	s9 =	rddreg [dreg:$0x5];
	[sflag:s23] =	ssyncadd.s32 $0xFFFF1000  }
0xa5: {  	[tilespmem:s18], [sflag:$0x6] =	stream.indirect.gather [hbm4b:s4+s14], $0x80, s9, s14, $0xb8;
	[tilespmem:$0x1F000] =	vst v63  }
0xa6: {  	_ =	swait.ge [sflag:s19], $0xF000  }
0xa7: {  	[sflag:s19] =	ssyncset.done $0x0  }
0xa8: {  	s12 =	sadd.s32 $0x9600, s6;
	[sflag:s19] =	ssyncadd.s32 $0xFFFF1000  }
0xa9: {  	[hbm4b:s12+s2] =	stream.linear.scatter [tilespmem:s18], [sflag:$0x8], $0xF000, $0x38;
	[tilespmem:$0x1F000] =	vst v63  }
0xaa: {  	_ =	swait.ge [sflag:s20], $0xF000  }
0xab: {  	[sflag:s20] =	ssyncset.done $0x0  }
0xac: {  	[sflag:s20] =	ssyncadd.s32 $0xFFFF1000  }
0xad: {  	_ =	swait.ge [sflag:s25], $0x3C0  }
0xae: {  	[sflag:s25] =	ssyncset.done $0x0  }
0xaf: {  	p1 =	sgt.u32 s30, $0x9D;
	[sflag:s25] =	ssyncadd.s32 $0xFFFFFC40  }
0xb0: {  	[tilespmem:s15], [sflag:$0x5] =	stream.indirect.gather [hbm4b:s4+s14], $0x80, s22, s14, $0xb8;
	[tilespmem:$0x1F000] =	vst v63  }
0xb1: {  	s8 =	sadd.s32 $0x1E0, s8;
	s5 =	simm.s32 @!p1 $0x0;
	s7 =	simm.s32 @!p1 $0x400  }
0xb2: {  	[tilespmem:s7], [sflag:$0x2] =	stream.linear.gather @!p1 [hbm4b:s8+s5], $0x3C0, $0x38;
	[tilespmem:$0x1F000] =	vst v63  }
0xb3: {  	_ =	swait.ge [sflag:s17], $0xF000  }
0xb4: {  	[sflag:s17] =	ssyncset.done $0x0  }
0xb5: {  	s7 =	sadd.s32 $0xB400, s6;
	[sflag:s17] =	ssyncadd.s32 $0xFFFF1000  }
0xb6: {  	[hbm4b:s7+s2] =	stream.linear.scatter [tilespmem:s15], [sflag:$0x7], $0xF000, $0x38;
	[tilespmem:$0x1F000] =	vst v63  }
0xb7: {  	_ =	swait.ge [sflag:s23], $0xF000  }
0xb8: {  	[sflag:s23] =	ssyncset.done $0x0  }
0xb9: {  	s9 =	rddreg [dreg:$0x6];
	[sflag:s23] =	ssyncadd.s32 $0xFFFF1000  }
0xba: {  	[tilespmem:s18], [sflag:$0x6] =	stream.indirect.gather [hbm4b:s4+s14], $0x80, s9, s14, $0xb8;
	[tilespmem:$0x1F000] =	vst v63  }
0xbb: {  	s28 =	sadd.s32 $0xF000, s28;
	_ =	swait.ge [sflag:s19], $0xF000  }
0xbc: {  	p0 =	sne.s32 s28, $0x258000;
	[sflag:s19] =	ssyncset.done $0x0  }
0xbd: {  	s12 =	sadd.s32 $0xD200, s6;
	p1 =	sgt.u32 s30, $0x9E;
	[sflag:s19] =	ssyncadd.s32 $0xFFFF1000  }
0xbe: {  	[hbm4b:s12+s2] =	stream.linear.scatter [tilespmem:s18], [sflag:$0x8], $0xF000, $0x38;
	[tilespmem:$0x1F000] =	vst v63  }
.Ltmp0:
0xbf: {  	s9 =	simm.s32 @!p1 $0x7;
	(pc) =	sbr.rel @p0 .LBB2_2-.Ltmp0, $4  }
0xc0: {  	s29 =	sadd.s32 $0x1E0, s29;
	s1 =	sadd.s32 $0x1E0, s1;
	_ =	swait.ge @!p1 [sflag:s9], $0xF000  }
0xc1: {  	s31 =	sadd.s32 $0xF00, s31;
	s30 =	sadd.s32 $0x4, s30;
	[sflag:s9] =	ssyncset.done @!p1 $0x0  }
0xc2: {  	s6 =	simm.s32 @!p1 $0x1E0;
	s12 =	simm.s32 @!p1 $0x1;
	[sflag:s9] =	ssyncadd.s32 @!p1 $0xFFFF1000  }
0xc3: {  	s5 =	simm.s32 @!p1 $0x1000;
	s7 =	simm.s32 @!p1 $0x0;
	_ =	swait.ge @!p1 [sflag:s12], $0x3C0  }
0xc4: {  	[sflag:s12] =	ssyncset.done @!p1 $0x0  }
0xc5: {  	[sflag:s12] =	ssyncadd.s32 @!p1 $0xFFFFFC40  }
0xc6: {  	[tilespmem:s5], [sflag:$0x5] =	stream.indirect.gather @!p1 [hbm4b:s4+s6], $0x80, s7, s6, $0xb8;
	[tilespmem:$0x1F000] =	vst v63  }
0xc7: {  	_ =	swait.ge [sflag:s20], $0xF000  }
0xc8: {  	[sflag:s20] =	ssyncset.done $0x0  }
0xc9: {  	[sflag:s20] =	ssyncadd.s32 $0xFFFF1000  }
0xca: {  	_ =	swait.ge [sflag:s23], $0xF000  }
0xcb: {  	s26 =	sadd.s32 $0x1, s26;
	s1 =	rddreg [dreg:$0x9]  }
0xcc: {  	p0 =	sne.s32 s26, s1  }
.Ltmp1:
0xcd: {  	_ = 	snop;
	(pc) =	sbr.rel @p0 .LBB2_1-.Ltmp1, $3  }
0xce: {  	_ =	sdelay $0x1  }
0xcf: {  	[sflag:s23] =	ssyncset.done $0x0  }
0xd0: {  	[sflag:s23] =	ssyncadd.s32 $0xFFFF1000  }
0xd1: {  	_ =	sfence.sel $0x180000  }
0xd2: {  	[bflag:$0x0] =	sbarrier.arrive $0xFFFF  }
0xd3: {  	_ =	strace $0x90000047  }
0xd4: {  	s0 =	stileid.u32;
	[bflag:$0x2] =	sbarrier.arrive $0xFFFF  }
0xd5: {  	p0 =	sne.s32 s0, $0x0;
	s0 =	rddreg [dreg:$0x2]  }
0xd6: {  	s0 =	sadd.s32 @!p0 $0x100000, s0  }
0xd7: {  	[sflag:s0] =	ssyncadd.tile.s32 @!p0 $0x1;
	_ =	shalt  }
.Lfunc_end2:
_tile_overlayer_lowered:
.L_overlay_start_2:
0xd8: {  	(tag) =	ssettag $0x2  }
0xd9: {  	s0 =	rddreg [dreg:$0x0];
	s2 =	stileid.u32  }
0xda: {  	s1 =	rddreg [dreg:$0x1];
	p0 =	sne.s32 s2, $0x0  }
0xdb: {  	s3 =	rddreg [dreg:$0x2];
	[bflag:$0x3] =	sbarrier.arrive $0xFFFF;
	s2 =	simm.s32 @!p0 $0x1C09  }
0xdc: {  	[timem:s3], [sflag:s2] =	dma.local @!p0 [hbm:s0], s1  }
0xdd: {  	s0 =	simm.s32 @!p0 $0x9  }
0xde: {  	_ =	swait.ge @!p0 [sflag:s0], s1  }
0xdf: {  	s1 =	ssub.s32 @!p0 $0x0, s1;
	[sflag:s0] =	ssyncset.done @!p0 $0x0  }
0xe0: {  	[sflag:s0] =	ssyncadd.s32 @!p0 s1  }
0xe1: {  	[bflag:$0x3] =	sbarrier.arrive $0xFFFF  }
0xe2: {  	_ =	shalt  }

</sc_bundles>
